<compile_context>
chip_gen: v7x
topology: tpu7x:2x2x1
jax: 0.10.2.dev20260603
libtpu: 0.0.44.dev20260713+nightly
codegen_flags: <defaults>
</compile_context>

<pallas_src>
import functools

import jax
import jax.numpy as jnp
from jax import lax
from jax.experimental import pallas as pl
from jax.experimental.pallas import tpu as pltpu
from jax.experimental.pallas import tpu_sc as plsc

_info = plsc.get_sparse_core_info()
_NC = _info.num_cores
_NS = _info.num_subcores
_L = _info.num_lanes
_NW = _NC * _NS

_CHUNK = 64
_NBUF = 4


@functools.lru_cache(maxsize=None)
def _make(q, c, d, bn):
    epw = bn * q // _NW
    assert epw % (4 * _CHUNK) == 0 and _CHUNK % _L == 0
    assert q & (q - 1) == 0 and _L % q == 0
    bn_per_w = bn // _NW
    n_chunks = epw // _CHUNK
    vecs_per_chunk = _CHUNK // _L
    assert (n_chunks - 4) % 4 == 0 and n_chunks >= 8

    mesh = plsc.VectorSubcoreMesh(core_axis_name="c", subcore_axis_name="s")

    @functools.partial(
        pl.kernel,
        mesh=mesh,
        out_type=jax.ShapeDtypeStruct((q * bn, d), jnp.float32),
        scratch_types=[
            pltpu.VMEM((epw,), jnp.int32),
            pltpu.VMEM((n_chunks, _CHUNK), jnp.int32),
            pltpu.VMEM((n_chunks, _CHUNK), jnp.int32),
            pltpu.VMEM((_CHUNK, d), jnp.float32),
            pltpu.VMEM((_CHUNK, d), jnp.float32),
            pltpu.VMEM((_CHUNK, d), jnp.float32),
            pltpu.VMEM((_CHUNK, d), jnp.float32),
            pltpu.SemaphoreType.DMA,
            pltpu.SemaphoreType.DMA,
        ],
    )
    def k(idx_hbm, cb_hbm, out_hbm, idx_v, gidx_v, oidx_v,
          buf0, buf1, buf2, buf3, gsem, wsem):
        wid = lax.axis_index("s") * _NC + lax.axis_index("c")
        bufs = (buf0, buf1, buf2, buf3)
        obase = wid * bn_per_w

        pltpu.sync_copy(idx_hbm.at[pl.ds(wid * epw, epw)], idx_v)

        lanes = lax.iota(jnp.int32, _L)
        qv = lanes & (q - 1)
        cb_bias = qv * c
        out_bias = qv * bn + obase + lax.shift_right_logical(
            lanes, q.bit_length() - 1)

        def fill(j):
            for i in range(vecs_per_chunk):
                base = j * vecs_per_chunk + i
                vec = idx_v[pl.ds(base * _L, _L)]
                gidx_v[j, pl.ds(i * _L, _L)] = vec + cb_bias
                oidx_v[j, pl.ds(i * _L, _L)] = out_bias + base * (_L // q)

        def gather_start(j, b):
            pltpu.async_copy(cb_hbm.at[gidx_v.at[j]], bufs[b], gsem)

        def gather_wait(j, b):
            pltpu.make_async_copy(cb_hbm.at[gidx_v.at[j]], bufs[b], gsem).wait()

        def scatter_start(j, b):
            pltpu.async_copy(bufs[b], out_hbm.at[oidx_v.at[j]], wsem)

        def scatter_wait(j, b):
            pltpu.make_async_copy(bufs[b], out_hbm.at[oidx_v.at[j]], wsem).wait()

        fill(0)
        gather_start(0, 0)
        fill(1)
        gather_start(1, 1)
        fill(2)
        gather_wait(0, 0)
        scatter_start(0, 0)
        gather_start(2, 2)
        fill(3)
        gather_wait(1, 1)
        scatter_start(1, 1)
        gather_start(3, 3)

        def ring(gi, carry):
            for db in range(4):
                j = 4 * gi + 2 + db
                b = (2 + db) % _NBUF
                gather_wait(j, b)
                scatter_start(j, b)
                scatter_wait(j - 2, db % _NBUF)
                fill(j + 2)
                gather_start(j + 2, db % _NBUF)
            return carry
        lax.fori_loop(0, (n_chunks - 4) // 4, ring, 0)

        for db in range(2):
            j = n_chunks - 2 + db
            gather_wait(j, j % _NBUF)
            scatter_start(j, j % _NBUF)
        for db in range(4):
            j = n_chunks - 4 + db
            scatter_wait(j, j % _NBUF)

    return k


def kernel(indices, codebooks):
    q, c, d = codebooks.shape
    idx_flat = indices.reshape(-1)
    bn = idx_flat.size // q
    cb_flat = codebooks.reshape(q * c, d)
    out = _make(q, c, d, bn)(idx_flat, cb_flat)
    return out.reshape((q,) + indices.shape[:-1] + (d,))

# --- scband reference (transcript-rebuilt; emitter-appended) ---
"""Pipeline reference for scband-residual-vq-27058293965239 (READ-ONLY COPY).

The authoritative reference and input builder live on the scoring server;
editing this copy changes nothing except your own understanding.
"""

import jax, jax.numpy as jnp
import numpy as np

Q = 8
C = 1024
D = 256
B = 16
N = 1024


def setup_inputs(seed: int = 0) -> dict:
    key = jax.random.key(seed)
    k1, k2 = jax.random.split(key)
    indices = jax.random.randint(k1, (B, N, Q), 0, C, dtype=jnp.int32)
    # learned codebooks: (num_quantizers, codebook_size, dim)
    codebooks = jax.random.normal(k2, (Q, C, D), dtype=jnp.float32)
    return {"indices": indices, "codebooks": codebooks}


def reference(indices, codebooks):
    # indices: (b, ..., q) int; codebooks: (q, c, d) float
    q, c, d = codebooks.shape
    b = indices.shape[0]
    # pack: (b, n, q)
    idx = indices.reshape(b, -1, q)
    # rearrange to (q, b, n)
    gather_idx = jnp.transpose(idx, (2, 0, 1))
    mask = gather_idx == -1
    safe_idx = jnp.where(mask, 0, gather_idx)
    # gather codewords per quantizer: result (q, b, n, d)
    q_arange = jnp.arange(q)[:, None, None]
    all_codes = codebooks[q_arange, safe_idx]
    all_codes = jnp.where(mask[..., None], 0.0, all_codes)
    # unpack back to (q, b, ..., d)
    out = all_codes.reshape((q,) + indices.shape[:-1] + (d,))
    return out

if __name__ == "__main__":
    import jax
    _d = setup_inputs()
    print(jax.jit(kernel)(*tuple(_d.values())))

</pallas_src>

<mosaic_0001>
#map = affine_map<(d0, d1) -> (0)>
#map1 = affine_map<(d0, d1) -> (0, 0)>
module attributes {stable_mosaic.version = 14 : i64} {
  func.func @k(%arg0: i32, %arg1: i32, %arg2: memref<131072xi32, #tpu.memory_space<hbm>>, %arg3: memref<8192x256xf32, #tpu.memory_space<hbm>>, %arg4: memref<131072x256xf32, #tpu.memory_space<hbm>>, %arg5: memref<4096xi32, #tpu.memory_space<vmem>>, %arg6: memref<64x64xi32, #tpu.memory_space<vmem>>, %arg7: memref<64x64xi32, #tpu.memory_space<vmem>>, %arg8: memref<64x256xf32, #tpu.memory_space<vmem>>, %arg9: memref<64x256xf32, #tpu.memory_space<vmem>>, %arg10: memref<64x256xf32, #tpu.memory_space<vmem>>, %arg11: memref<64x256xf32, #tpu.memory_space<vmem>>, %arg12: memref<!tpu.dma_semaphore, #tpu.memory_space<semaphore_mem>>, %arg13: memref<!tpu.dma_semaphore, #tpu.memory_space<semaphore_mem>>) attributes {dimension_semantics = [#tpu.dimension_semantics<core_parallel>, #tpu.dimension_semantics<subcore_parallel>], iteration_bounds = array<i64: 2, 16>, scalar_prefetch = 0 : i64, scratch_operands = 9 : i64, tpu.core_type = #tpu.core_type<sc_vector_subcore>, window_params = [{transform_indices = #map}, {transform_indices = #map1}, {transform_indices = #map1}]} {
    %mul3A = arith.constant 2 : i32
    %mul3A_0 = arith.muli %arg1, %mul3A : i32
    %add3A = arith.addi %mul3A_0, %arg0 : i32
    %mul3A_1 = arith.constant 512 : i32
    %mul3A_2 = arith.muli %add3A, %mul3A_1 : i32
    %mul3A_3 = arith.constant 4096 : i32
    %mul3A_4 = arith.muli %add3A, %mul3A_3 : i32
    "tpu.region"() ({
      %run_scoped3A = tpu.sem_alloc : memref<!tpu.dma_semaphore, #tpu.memory_space<semaphore_mem>>
      %dma_start3A_435 = tpu.memref_slice %arg2[%mul3A_4] : memref<131072xi32, #tpu.memory_space<hbm>> -> memref<4096xi32, #tpu.memory_space<hbm>>
      %dma_start3A_436 = tpu.memref_slice %arg2[%mul3A_4] : memref<131072xi32, #tpu.memory_space<hbm>> -> memref<4096xi32, #tpu.memory_space<hbm>>
      tpu.enqueue_dma source(%dma_start3A_436 : memref<4096xi32, #tpu.memory_space<hbm>>) target(%arg5 : memref<4096xi32, #tpu.memory_space<vmem>>) target_semaphore(%run_scoped3A : memref<!tpu.dma_semaphore, #tpu.memory_space<semaphore_mem>>)
      %dma_wait3A_437 = tpu.memref_slice %arg2[%mul3A_4] : memref<131072xi32, #tpu.memory_space<hbm>> -> memref<4096xi32, #tpu.memory_space<hbm>>
      %dma_wait3A_438 = tpu.memref_slice %arg2[%mul3A_4] : memref<131072xi32, #tpu.memory_space<hbm>> -> memref<4096xi32, #tpu.memory_space<hbm>>
      tpu.wait_dma2 semaphore(%run_scoped3A : memref<!tpu.dma_semaphore, #tpu.memory_space<semaphore_mem>>) src(%dma_wait3A_438 : memref<4096xi32, #tpu.memory_space<hbm>>) dst(%arg5 : memref<4096xi32, #tpu.memory_space<vmem>>)
      tpu.yield
    }) : () -> ()
    %iota3A = tpu.iota {dimensions = array<i32: 0>} : vector<16xi32>
    %and3A = arith.constant 7 : i32
    %and3A_5 = vector.broadcast %and3A : i32 to vector<16xi32>
    %and3A_6 = arith.andi %iota3A, %and3A_5 : vector<16xi32>
    %mul3A_7 = arith.constant 1024 : i32
    %mul3A_8 = vector.broadcast %mul3A_7 : i32 to vector<16xi32>
    %mul3A_9 = arith.muli %and3A_6, %mul3A_8 : vector<16xi32>
    %mul3A_10 = arith.constant 16384 : i32
    %mul3A_11 = vector.broadcast %mul3A_10 : i32 to vector<16xi32>
    %mul3A_12 = arith.muli %and3A_6, %mul3A_11 : vector<16xi32>
    %add3A_13 = vector.broadcast %mul3A_2 : i32 to vector<16xi32>
    %add3A_14 = arith.addi %mul3A_12, %add3A_13 : vector<16xi32>
    %shift_right_logical3A = arith.constant 3 : i32
    %shift_right_logical3A_15 = vector.broadcast %shift_right_logical3A : i32 to vector<16xi32>
    %shift_right_logical3A_16 = arith.shrui %iota3A, %shift_right_logical3A_15 : vector<16xi32>
    %add3A_17 = arith.addi %add3A_14, %shift_right_logical3A_16 : vector<16xi32>
    %get3A = arith.constant 0 : index
    %get3A_18 = tpu.vector_load %arg5[%get3A] {strides = array<i32>} : memref<4096xi32, #tpu.memory_space<vmem>>, vector<16xi32>,
    %get3A_19 = vector.shape_cast %get3A_18 : vector<16xi32> to vector<16xi32>
    %add3A_20 = arith.addi %get3A_19, %mul3A_9 : vector<16xi32>
    %swap3A = arith.constant 0 : i32
    %swap3A_21 = arith.index_cast %swap3A : i32 to index
    %swap3A_22 = arith.constant 0 : index
    %swap3A_23 = tpu.vector_load %arg6[%swap3A_21, %swap3A_22] {strides = array<i32>} : memref<64x64xi32, #tpu.memory_space<vmem>>, vector<1x16xi32>,
    %swap3A_24 = vector.shape_cast %swap3A_23 : vector<1x16xi32> to vector<16xi32>
    %swap3A_25 = vector.shape_cast %add3A_20 : vector<16xi32> to vector<1x16xi32>
    tpu.vector_store %arg6[%swap3A_21, %swap3A_22], %swap3A_25 {strides = array<i32>} : memref<64x64xi32, #tpu.memory_space<vmem>>, vector<1x16xi32>,
    %add3A_26 = arith.constant 0 : i32
    %add3A_27 = vector.broadcast %add3A_26 : i32 to vector<16xi32>
    %add3A_28 = arith.addi %add3A_17, %add3A_27 : vector<16xi32>
    %swap3A_29 = arith.constant 0 : i32
    %swap3A_30 = arith.index_cast %swap3A_29 : i32 to index
    %swap3A_31 = arith.constant 0 : index
    %swap3A_32 = tpu.vector_load %arg7[%swap3A_30, %swap3A_31] {strides = array<i32>} : memref<64x64xi32, #tpu.memory_space<vmem>>, vector<1x16xi32>,
    %swap3A_33 = vector.shape_cast %swap3A_32 : vector<1x16xi32> to vector<16xi32>
    %swap3A_34 = vector.shape_cast %add3A_28 : vector<16xi32> to vector<1x16xi32>
    tpu.vector_store %arg7[%swap3A_30, %swap3A_31], %swap3A_34 {strides = array<i32>} : memref<64x64xi32, #tpu.memory_space<vmem>>, vector<1x16xi32>,
    %get3A_35 = arith.constant 16 : index
    %get3A_36 = tpu.vector_load %arg5[%get3A_35] {strides = array<i32>} : memref<4096xi32, #tpu.memory_space<vmem>>, vector<16xi32>,
    %get3A_37 = vector.shape_cast %get3A_36 : vector<16xi32> to vector<16xi32>
    %add3A_38 = arith.addi %get3A_37, %mul3A_9 : vector<16xi32>
    %swap3A_39 = arith.constant 0 : i32
    %swap3A_40 = arith.index_cast %swap3A_39 : i32 to index
    %swap3A_41 = arith.constant 16 : index
    %swap3A_42 = tpu.vector_load %arg6[%swap3A_40, %swap3A_41] {strides = array<i32>} : memref<64x64xi32, #tpu.memory_space<vmem>>, vector<1x16xi32>,
    %swap3A_43 = vector.shape_cast %swap3A_42 : vector<1x16xi32> to vector<16xi32>
    %swap3A_44 = vector.shape_cast %add3A_38 : vector<16xi32> to vector<1x16xi32>
    tpu.vector_store %arg6[%swap3A_40, %swap3A_41], %swap3A_44 {strides = array<i32>} : memref<64x64xi32, #tpu.memory_space<vmem>>, vector<1x16xi32>,
    %add3A_45 = arith.constant 2 : i32
    %add3A_46 = vector.broadcast %add3A_45 : i32 to vector<16xi32>
    %add3A_47 = arith.addi %add3A_17, %add3A_46 : vector<16xi32>
    %swap3A_48 = arith.constant 0 : i32
    %swap3A_49 = arith.index_cast %swap3A_48 : i32 to index
    %swap3A_50 = arith.constant 16 : index
    %swap3A_51 = tpu.vector_load %arg7[%swap3A_49, %swap3A_50] {strides = array<i32>} : memref<64x64xi32, #tpu.memory_space<vmem>>, vector<1x16xi32>,
    %swap3A_52 = vector.shape_cast %swap3A_51 : vector<1x16xi32> to vector<16xi32>
    %swap3A_53 = vector.shape_cast %add3A_47 : vector<16xi32> to vector<1x16xi32>
    tpu.vector_store %arg7[%swap3A_49, %swap3A_50], %swap3A_53 {strides = array<i32>} : memref<64x64xi32, #tpu.memory_space<vmem>>, vector<1x16xi32>,
    %get3A_54 = arith.constant 32 : index
    %get3A_55 = tpu.vector_load %arg5[%get3A_54] {strides = array<i32>} : memref<4096xi32, #tpu.memory_space<vmem>>, vector<16xi32>,
    %get3A_56 = vector.shape_cast %get3A_55 : vector<16xi32> to vector<16xi32>
    %add3A_57 = arith.addi %get3A_56, %mul3A_9 : vector<16xi32>
    %swap3A_58 = arith.constant 0 : i32
    %swap3A_59 = arith.index_cast %swap3A_58 : i32 to index
    %swap3A_60 = arith.constant 32 : index
    %swap3A_61 = tpu.vector_load %arg6[%swap3A_59, %swap3A_60] {strides = array<i32>} : memref<64x64xi32, #tpu.memory_space<vmem>>, vector<1x16xi32>,
    %swap3A_62 = vector.shape_cast %swap3A_61 : vector<1x16xi32> to vector<16xi32>
    %swap3A_63 = vector.shape_cast %add3A_57 : vector<16xi32> to vector<1x16xi32>
    tpu.vector_store %arg6[%swap3A_59, %swap3A_60], %swap3A_63 {strides = array<i32>} : memref<64x64xi32, #tpu.memory_space<vmem>>, vector<1x16xi32>,
    %add3A_64 = arith.constant 4 : i32
    %add3A_65 = vector.broadcast %add3A_64 : i32 to vector<16xi32>
    %add3A_66 = arith.addi %add3A_17, %add3A_65 : vector<16xi32>
    %swap3A_67 = arith.constant 0 : i32
    %swap3A_68 = arith.index_cast %swap3A_67 : i32 to index
    %swap3A_69 = arith.constant 32 : index
    %swap3A_70 = tpu.vector_load %arg7[%swap3A_68, %swap3A_69] {strides = array<i32>} : memref<64x64xi32, #tpu.memory_space<vmem>>, vector<1x16xi32>,
    %swap3A_71 = vector.shape_cast %swap3A_70 : vector<1x16xi32> to vector<16xi32>
    %swap3A_72 = vector.shape_cast %add3A_66 : vector<16xi32> to vector<1x16xi32>
    tpu.vector_store %arg7[%swap3A_68, %swap3A_69], %swap3A_72 {strides = array<i32>} : memref<64x64xi32, #tpu.memory_space<vmem>>, vector<1x16xi32>,
    %get3A_73 = arith.constant 48 : index
    %get3A_74 = tpu.vector_load %arg5[%get3A_73] {strides = array<i32>} : memref<4096xi32, #tpu.memory_space<vmem>>, vector<16xi32>,
    %get3A_75 = vector.shape_cast %get3A_74 : vector<16xi32> to vector<16xi32>
    %add3A_76 = arith.addi %get3A_75, %mul3A_9 : vector<16xi32>
    %swap3A_77 = arith.constant 0 : i32
    %swap3A_78 = arith.index_cast %swap3A_77 : i32 to index
    %swap3A_79 = arith.constant 48 : index
    %swap3A_80 = tpu.vector_load %arg6[%swap3A_78, %swap3A_79] {strides = array<i32>} : memref<64x64xi32, #tpu.memory_space<vmem>>, vector<1x16xi32>,
    %swap3A_81 = vector.shape_cast %swap3A_80 : vector<1x16xi32> to vector<16xi32>
    %swap3A_82 = vector.shape_cast %add3A_76 : vector<16xi32> to vector<1x16xi32>
    tpu.vector_store %arg6[%swap3A_78, %swap3A_79], %swap3A_82 {strides = array<i32>} : memref<64x64xi32, #tpu.memory_space<vmem>>, vector<1x16xi32>,
    %add3A_83 = arith.constant 6 : i32
    %add3A_84 = vector.broadcast %add3A_83 : i32 to vector<16xi32>
    %add3A_85 = arith.addi %add3A_17, %add3A_84 : vector<16xi32>
    %swap3A_86 = arith.constant 0 : i32
    %swap3A_87 = arith.index_cast %swap3A_86 : i32 to index
    %swap3A_88 = arith.constant 48 : index
    %swap3A_89 = tpu.vector_load %arg7[%swap3A_87, %swap3A_88] {strides = array<i32>} : memref<64x64xi32, #tpu.memory_space<vmem>>, vector<1x16xi32>,
    %swap3A_90 = vector.shape_cast %swap3A_89 : vector<1x16xi32> to vector<16xi32>
    %swap3A_91 = vector.shape_cast %add3A_85 : vector<16xi32> to vector<1x16xi32>
    tpu.vector_store %arg7[%swap3A_87, %swap3A_88], %swap3A_91 {strides = array<i32>} : memref<64x64xi32, #tpu.memory_space<vmem>>, vector<1x16xi32>,
    %dma_start3A = arith.constant 0 : i32
    %dma_start3A_92 = arith.constant 0 : i32
    %dma_start3A_93 = tpu.memref_slice %arg6[%dma_start3A, %dma_start3A_92] : memref<64x64xi32, #tpu.memory_space<vmem>> -> memref<1x64xi32, #tpu.memory_space<vmem>>
    %dma_start3A_94 = tpu.memref_squeeze %dma_start3A_93 : memref<1x64xi32, #tpu.memory_space<vmem>> -> memref<64xi32, #tpu.memory_space<vmem>>
    %dma_start3A_95 = arith.constant 0 : i32
    %dma_start3A_96 = arith.constant 0 : i32
    %dma_start3A_97 = tpu.memref_slice %arg3[%dma_start3A_95, %dma_start3A_96] : memref<8192x256xf32, #tpu.memory_space<hbm>> -> memref<8192x256xf32, #tpu.memory_space<hbm>>
    tpu.enqueue_indirect_dma source(%dma_start3A_97 : memref<8192x256xf32, #tpu.memory_space<hbm>>) target(%arg8 : memref<64x256xf32, #tpu.memory_space<vmem>>) offsets(%dma_start3A_94 : memref<64xi32, #tpu.memory_space<vmem>>) semaphore(%arg12 : memref<!tpu.dma_semaphore, #tpu.memory_space<semaphore_mem>>)
    %get3A_98 = arith.constant 64 : index
    %get3A_99 = tpu.vector_load %arg5[%get3A_98] {strides = array<i32>} : memref<4096xi32, #tpu.memory_space<vmem>>, vector<16xi32>,
    %get3A_100 = vector.shape_cast %get3A_99 : vector<16xi32> to vector<16xi32>
    %add3A_101 = arith.addi %get3A_100, %mul3A_9 : vector<16xi32>
    %swap3A_102 = arith.constant 1 : i32
    %swap3A_103 = arith.index_cast %swap3A_102 : i32 to index
    %swap3A_104 = arith.constant 0 : index
    %swap3A_105 = tpu.vector_load %arg6[%swap3A_103, %swap3A_104] {strides = array<i32>} : memref<64x64xi32, #tpu.memory_space<vmem>>, vector<1x16xi32>,
    %swap3A_106 = vector.shape_cast %swap3A_105 : vector<1x16xi32> to vector<16xi32>
    %swap3A_107 = vector.shape_cast %add3A_101 : vector<16xi32> to vector<1x16xi32>
    tpu.vector_store %arg6[%swap3A_103, %swap3A_104], %swap3A_107 {strides = array<i32>} : memref<64x64xi32, #tpu.memory_space<vmem>>, vector<1x16xi32>,
    %add3A_108 = arith.constant 8 : i32
    %add3A_109 = vector.broadcast %add3A_108 : i32 to vector<16xi32>
    %add3A_110 = arith.addi %add3A_17, %add3A_109 : vector<16xi32>
    %swap3A_111 = arith.constant 1 : i32
    %swap3A_112 = arith.index_cast %swap3A_111 : i32 to index
    %swap3A_113 = arith.constant 0 : index
    %swap3A_114 = tpu.vector_load %arg7[%swap3A_112, %swap3A_113] {strides = array<i32>} : memref<64x64xi32, #tpu.memory_space<vmem>>, vector<1x16xi32>,
    %swap3A_115 = vector.shape_cast %swap3A_114 : vector<1x16xi32> to vector<16xi32>
    %swap3A_116 = vector.shape_cast %add3A_110 : vector<16xi32> to vector<1x16xi32>
    tpu.vector_store %arg7[%swap3A_112, %swap3A_113], %swap3A_116 {strides = array<i32>} : memref<64x64xi32, #tpu.memory_space<vmem>>, vector<1x16xi32>,
    %get3A_117 = arith.constant 80 : index
    %get3A_118 = tpu.vector_load %arg5[%get3A_117] {strides = array<i32>} : memref<4096xi32, #tpu.memory_space<vmem>>, vector<16xi32>,
    %get3A_119 = vector.shape_cast %get3A_118 : vector<16xi32> to vector<16xi32>
    %add3A_120 = arith.addi %get3A_119, %mul3A_9 : vector<16xi32>
    %swap3A_121 = arith.constant 1 : i32
    %swap3A_122 = arith.index_cast %swap3A_121 : i32 to index
    %swap3A_123 = arith.constant 16 : index
    %swap3A_124 = tpu.vector_load %arg6[%swap3A_122, %swap3A_123] {strides = array<i32>} : memref<64x64xi32, #tpu.memory_space<vmem>>, vector<1x16xi32>,
    %swap3A_125 = vector.shape_cast %swap3A_124 : vector<1x16xi32> to vector<16xi32>
    %swap3A_126 = vector.shape_cast %add3A_120 : vector<16xi32> to vector<1x16xi32>
    tpu.vector_store %arg6[%swap3A_122, %swap3A_123], %swap3A_126 {strides = array<i32>} : memref<64x64xi32, #tpu.memory_space<vmem>>, vector<1x16xi32>,
    %add3A_127 = arith.constant 10 : i32
    %add3A_128 = vector.broadcast %add3A_127 : i32 to vector<16xi32>
    %add3A_129 = arith.addi %add3A_17, %add3A_128 : vector<16xi32>
    %swap3A_130 = arith.constant 1 : i32
    %swap3A_131 = arith.index_cast %swap3A_130 : i32 to index
    %swap3A_132 = arith.constant 16 : index
    %swap3A_133 = tpu.vector_load %arg7[%swap3A_131, %swap3A_132] {strides = array<i32>} : memref<64x64xi32, #tpu.memory_space<vmem>>, vector<1x16xi32>,
    %swap3A_134 = vector.shape_cast %swap3A_133 : vector<1x16xi32> to vector<16xi32>
    %swap3A_135 = vector.shape_cast %add3A_129 : vector<16xi32> to vector<1x16xi32>
    tpu.vector_store %arg7[%swap3A_131, %swap3A_132], %swap3A_135 {strides = array<i32>} : memref<64x64xi32, #tpu.memory_space<vmem>>, vector<1x16xi32>,
    %get3A_136 = arith.constant 96 : index
    %get3A_137 = tpu.vector_load %arg5[%get3A_136] {strides = array<i32>} : memref<4096xi32, #tpu.memory_space<vmem>>, vector<16xi32>,
    %get3A_138 = vector.shape_cast %get3A_137 : vector<16xi32> to vector<16xi32>
    %add3A_139 = arith.addi %get3A_138, %mul3A_9 : vector<16xi32>
    %swap3A_140 = arith.constant 1 : i32
    %swap3A_141 = arith.index_cast %swap3A_140 : i32 to index
    %swap3A_142 = arith.constant 32 : index
    %swap3A_143 = tpu.vector_load %arg6[%swap3A_141, %swap3A_142] {strides = array<i32>} : memref<64x64xi32, #tpu.memory_space<vmem>>, vector<1x16xi32>,
    %swap3A_144 = vector.shape_cast %swap3A_143 : vector<1x16xi32> to vector<16xi32>
    %swap3A_145 = vector.shape_cast %add3A_139 : vector<16xi32> to vector<1x16xi32>
    tpu.vector_store %arg6[%swap3A_141, %swap3A_142], %swap3A_145 {strides = array<i32>} : memref<64x64xi32, #tpu.memory_space<vmem>>, vector<1x16xi32>,
    %add3A_146 = arith.constant 12 : i32
    %add3A_147 = vector.broadcast %add3A_146 : i32 to vector<16xi32>
    %add3A_148 = arith.addi %add3A_17, %add3A_147 : vector<16xi32>
    %swap3A_149 = arith.constant 1 : i32
    %swap3A_150 = arith.index_cast %swap3A_149 : i32 to index
    %swap3A_151 = arith.constant 32 : index
    %swap3A_152 = tpu.vector_load %arg7[%swap3A_150, %swap3A_151] {strides = array<i32>} : memref<64x64xi32, #tpu.memory_space<vmem>>, vector<1x16xi32>,
    %swap3A_153 = vector.shape_cast %swap3A_152 : vector<1x16xi32> to vector<16xi32>
    %swap3A_154 = vector.shape_cast %add3A_148 : vector<16xi32> to vector<1x16xi32>
    tpu.vector_store %arg7[%swap3A_150, %swap3A_151], %swap3A_154 {strides = array<i32>} : memref<64x64xi32, #tpu.memory_space<vmem>>, vector<1x16xi32>,
    %get3A_155 = arith.constant 112 : index
    %get3A_156 = tpu.vector_load %arg5[%get3A_155] {strides = array<i32>} : memref<4096xi32, #tpu.memory_space<vmem>>, vector<16xi32>,
    %get3A_157 = vector.shape_cast %get3A_156 : vector<16xi32> to vector<16xi32>
    %add3A_158 = arith.addi %get3A_157, %mul3A_9 : vector<16xi32>
    %swap3A_159 = arith.constant 1 : i32
    %swap3A_160 = arith.index_cast %swap3A_159 : i32 to index
    %swap3A_161 = arith.constant 48 : index
    %swap3A_162 = tpu.vector_load %arg6[%swap3A_160, %swap3A_161] {strides = array<i32>} : memref<64x64xi32, #tpu.memory_space<vmem>>, vector<1x16xi32>,
    %swap3A_163 = vector.shape_cast %swap3A_162 : vector<1x16xi32> to vector<16xi32>
    %swap3A_164 = vector.shape_cast %add3A_158 : vector<16xi32> to vector<1x16xi32>
    tpu.vector_store %arg6[%swap3A_160, %swap3A_161], %swap3A_164 {strides = array<i32>} : memref<64x64xi32, #tpu.memory_space<vmem>>, vector<1x16xi32>,
    %add3A_165 = arith.constant 14 : i32
    %add3A_166 = vector.broadcast %add3A_165 : i32 to vector<16xi32>
    %add3A_167 = arith.addi %add3A_17, %add3A_166 : vector<16xi32>
    %swap3A_168 = arith.constant 1 : i32
    %swap3A_169 = arith.index_cast %swap3A_168 : i32 to index
    %swap3A_170 = arith.constant 48 : index
    %swap3A_171 = tpu.vector_load %arg7[%swap3A_169, %swap3A_170] {strides = array<i32>} : memref<64x64xi32, #tpu.memory_space<vmem>>, vector<1x16xi32>,
    %swap3A_172 = vector.shape_cast %swap3A_171 : vector<1x16xi32> to vector<16xi32>
    %swap3A_173 = vector.shape_cast %add3A_167 : vector<16xi32> to vector<1x16xi32>
    tpu.vector_store %arg7[%swap3A_169, %swap3A_170], %swap3A_173 {strides = array<i32>} : memref<64x64xi32, #tpu.memory_space<vmem>>, vector<1x16xi32>,
    %dma_start3A_174 = arith.constant 1 : i32
    %dma_start3A_175 = arith.constant 0 : i32
    %dma_start3A_176 = tpu.memref_slice %arg6[%dma_start3A_174, %dma_start3A_175] : memref<64x64xi32, #tpu.memory_space<vmem>> -> memref<1x64xi32, #tpu.memory_space<vmem>>
    %dma_start3A_177 = tpu.memref_squeeze %dma_start3A_176 : memref<1x64xi32, #tpu.memory_space<vmem>> -> memref<64xi32, #tpu.memory_space<vmem>>
    %dma_start3A_178 = arith.constant 0 : i32
    %dma_start3A_179 = arith.constant 0 : i32
    %dma_start3A_180 = tpu.memref_slice %arg3[%dma_start3A_178, %dma_start3A_179] : memref<8192x256xf32, #tpu.memory_space<hbm>> -> memref<8192x256xf32, #tpu.memory_space<hbm>>
    tpu.enqueue_indirect_dma source(%dma_start3A_180 : memref<8192x256xf32, #tpu.memory_space<hbm>>) target(%arg9 : memref<64x256xf32, #tpu.memory_space<vmem>>) offsets(%dma_start3A_177 : memref<64xi32, #tpu.memory_space<vmem>>) semaphore(%arg12 : memref<!tpu.dma_semaphore, #tpu.memory_space<semaphore_mem>>)
    %get3A_181 = arith.constant 128 : index
    %get3A_182 = tpu.vector_load %arg5[%get3A_181] {strides = array<i32>} : memref<4096xi32, #tpu.memory_space<vmem>>, vector<16xi32>,
    %get3A_183 = vector.shape_cast %get3A_182 : vector<16xi32> to vector<16xi32>
    %add3A_184 = arith.addi %get3A_183, %mul3A_9 : vector<16xi32>
    %swap3A_185 = arith.constant 2 : i32
    %swap3A_186 = arith.index_cast %swap3A_185 : i32 to index
    %swap3A_187 = arith.constant 0 : index
    %swap3A_188 = tpu.vector_load %arg6[%swap3A_186, %swap3A_187] {strides = array<i32>} : memref<64x64xi32, #tpu.memory_space<vmem>>, vector<1x16xi32>,
    %swap3A_189 = vector.shape_cast %swap3A_188 : vector<1x16xi32> to vector<16xi32>
    %swap3A_190 = vector.shape_cast %add3A_184 : vector<16xi32> to vector<1x16xi32>
    tpu.vector_store %arg6[%swap3A_186, %swap3A_187], %swap3A_190 {strides = array<i32>} : memref<64x64xi32, #tpu.memory_space<vmem>>, vector<1x16xi32>,
    %add3A_191 = arith.constant 16 : i32
    %add3A_192 = vector.broadcast %add3A_191 : i32 to vector<16xi32>
    %add3A_193 = arith.addi %add3A_17, %add3A_192 : vector<16xi32>
    %swap3A_194 = arith.constant 2 : i32
    %swap3A_195 = arith.index_cast %swap3A_194 : i32 to index
    %swap3A_196 = arith.constant 0 : index
    %swap3A_197 = tpu.vector_load %arg7[%swap3A_195, %swap3A_196] {strides = array<i32>} : memref<64x64xi32, #tpu.memory_space<vmem>>, vector<1x16xi32>,
    %swap3A_198 = vector.shape_cast %swap3A_197 : vector<1x16xi32> to vector<16xi32>
    %swap3A_199 = vector.shape_cast %add3A_193 : vector<16xi32> to vector<1x16xi32>
    tpu.vector_store %arg7[%swap3A_195, %swap3A_196], %swap3A_199 {strides = array<i32>} : memref<64x64xi32, #tpu.memory_space<vmem>>, vector<1x16xi32>,
    %get3A_200 = arith.constant 144 : index
    %get3A_201 = tpu.vector_load %arg5[%get3A_200] {strides = array<i32>} : memref<4096xi32, #tpu.memory_space<vmem>>, vector<16xi32>,
    %get3A_202 = vector.shape_cast %get3A_201 : vector<16xi32> to vector<16xi32>
    %add3A_203 = arith.addi %get3A_202, %mul3A_9 : vector<16xi32>
    %swap3A_204 = arith.constant 2 : i32
    %swap3A_205 = arith.index_cast %swap3A_204 : i32 to index
    %swap3A_206 = arith.constant 16 : index
    %swap3A_207 = tpu.vector_load %arg6[%swap3A_205, %swap3A_206] {strides = array<i32>} : memref<64x64xi32, #tpu.memory_space<vmem>>, vector<1x16xi32>,
    %swap3A_208 = vector.shape_cast %swap3A_207 : vector<1x16xi32> to vector<16xi32>
    %swap3A_209 = vector.shape_cast %add3A_203 : vector<16xi32> to vector<1x16xi32>
    tpu.vector_store %arg6[%swap3A_205, %swap3A_206], %swap3A_209 {strides = array<i32>} : memref<64x64xi32, #tpu.memory_space<vmem>>, vector<1x16xi32>,
    %add3A_210 = arith.constant 18 : i32
    %add3A_211 = vector.broadcast %add3A_210 : i32 to vector<16xi32>
    %add3A_212 = arith.addi %add3A_17, %add3A_211 : vector<16xi32>
    %swap3A_213 = arith.constant 2 : i32
    %swap3A_214 = arith.index_cast %swap3A_213 : i32 to index
    %swap3A_215 = arith.constant 16 : index
    %swap3A_216 = tpu.vector_load %arg7[%swap3A_214, %swap3A_215] {strides = array<i32>} : memref<64x64xi32, #tpu.memory_space<vmem>>, vector<1x16xi32>,
    %swap3A_217 = vector.shape_cast %swap3A_216 : vector<1x16xi32> to vector<16xi32>
    %swap3A_218 = vector.shape_cast %add3A_212 : vector<16xi32> to vector<1x16xi32>
    tpu.vector_store %arg7[%swap3A_214, %swap3A_215], %swap3A_218 {strides = array<i32>} : memref<64x64xi32, #tpu.memory_space<vmem>>, vector<1x16xi32>,
    %get3A_219 = arith.constant 160 : index
    %get3A_220 = tpu.vector_load %arg5[%get3A_219] {strides = array<i32>} : memref<4096xi32, #tpu.memory_space<vmem>>, vector<16xi32>,
    %get3A_221 = vector.shape_cast %get3A_220 : vector<16xi32> to vector<16xi32>
    %add3A_222 = arith.addi %get3A_221, %mul3A_9 : vector<16xi32>
    %swap3A_223 = arith.constant 2 : i32
    %swap3A_224 = arith.index_cast %swap3A_223 : i32 to index
    %swap3A_225 = arith.constant 32 : index
    %swap3A_226 = tpu.vector_load %arg6[%swap3A_224, %swap3A_225] {strides = array<i32>} : memref<64x64xi32, #tpu.memory_space<vmem>>, vector<1x16xi32>,
    %swap3A_227 = vector.shape_cast %swap3A_226 : vector<1x16xi32> to vector<16xi32>
    %swap3A_228 = vector.shape_cast %add3A_222 : vector<16xi32> to vector<1x16xi32>
    tpu.vector_store %arg6[%swap3A_224, %swap3A_225], %swap3A_228 {strides = array<i32>} : memref<64x64xi32, #tpu.memory_space<vmem>>, vector<1x16xi32>,
    %add3A_229 = arith.constant 20 : i32
    %add3A_230 = vector.broadcast %add3A_229 : i32 to vector<16xi32>
    %add3A_231 = arith.addi %add3A_17, %add3A_230 : vector<16xi32>
    %swap3A_232 = arith.constant 2 : i32
    %swap3A_233 = arith.index_cast %swap3A_232 : i32 to index
    %swap3A_234 = arith.constant 32 : index
    %swap3A_235 = tpu.vector_load %arg7[%swap3A_233, %swap3A_234] {strides = array<i32>} : memref<64x64xi32, #tpu.memory_space<vmem>>, vector<1x16xi32>,
    %swap3A_236 = vector.shape_cast %swap3A_235 : vector<1x16xi32> to vector<16xi32>
    %swap3A_237 = vector.shape_cast %add3A_231 : vector<16xi32> to vector<1x16xi32>
    tpu.vector_store %arg7[%swap3A_233, %swap3A_234], %swap3A_237 {strides = array<i32>} : memref<64x64xi32, #tpu.memory_space<vmem>>, vector<1x16xi32>,
    %get3A_238 = arith.constant 176 : index
    %get3A_239 = tpu.vector_load %arg5[%get3A_238] {strides = array<i32>} : memref<4096xi32, #tpu.memory_space<vmem>>, vector<16xi32>,
    %get3A_240 = vector.shape_cast %get3A_239 : vector<16xi32> to vector<16xi32>
    %add3A_241 = arith.addi %get3A_240, %mul3A_9 : vector<16xi32>
    %swap3A_242 = arith.constant 2 : i32
    %swap3A_243 = arith.index_cast %swap3A_242 : i32 to index
    %swap3A_244 = arith.constant 48 : index
    %swap3A_245 = tpu.vector_load %arg6[%swap3A_243, %swap3A_244] {strides = array<i32>} : memref<64x64xi32, #tpu.memory_space<vmem>>, vector<1x16xi32>,
    %swap3A_246 = vector.shape_cast %swap3A_245 : vector<1x16xi32> to vector<16xi32>
    %swap3A_247 = vector.shape_cast %add3A_241 : vector<16xi32> to vector<1x16xi32>
    tpu.vector_store %arg6[%swap3A_243, %swap3A_244], %swap3A_247 {strides = array<i32>} : memref<64x64xi32, #tpu.memory_space<vmem>>, vector<1x16xi32>,
    %add3A_248 = arith.constant 22 : i32
    %add3A_249 = vector.broadcast %add3A_248 : i32 to vector<16xi32>
    %add3A_250 = arith.addi %add3A_17, %add3A_249 : vector<16xi32>
    %swap3A_251 = arith.constant 2 : i32
    %swap3A_252 = arith.index_cast %swap3A_251 : i32 to index
    %swap3A_253 = arith.constant 48 : index
    %swap3A_254 = tpu.vector_load %arg7[%swap3A_252, %swap3A_253] {strides = array<i32>} : memref<64x64xi32, #tpu.memory_space<vmem>>, vector<1x16xi32>,
    %swap3A_255 = vector.shape_cast %swap3A_254 : vector<1x16xi32> to vector<16xi32>
    %swap3A_256 = vector.shape_cast %add3A_250 : vector<16xi32> to vector<1x16xi32>
    tpu.vector_store %arg7[%swap3A_252, %swap3A_253], %swap3A_256 {strides = array<i32>} : memref<64x64xi32, #tpu.memory_space<vmem>>, vector<1x16xi32>,
    %dma_wait3A = arith.constant 0 : i32
    %dma_wait3A_257 = arith.constant 0 : i32
    %dma_wait3A_258 = tpu.memref_slice %arg6[%dma_wait3A, %dma_wait3A_257] : memref<64x64xi32, #tpu.memory_space<vmem>> -> memref<1x64xi32, #tpu.memory_space<vmem>>
    %dma_wait3A_259 = tpu.memref_squeeze %dma_wait3A_258 : memref<1x64xi32, #tpu.memory_space<vmem>> -> memref<64xi32, #tpu.memory_space<vmem>>
    %dma_wait3A_260 = arith.constant 0 : i32
    %dma_wait3A_261 = arith.constant 0 : i32
    %dma_wait3A_262 = tpu.memref_slice %arg3[%dma_wait3A_260, %dma_wait3A_261] : memref<8192x256xf32, #tpu.memory_space<hbm>> -> memref<8192x256xf32, #tpu.memory_space<hbm>>
    tpu.wait_indirect_dma semaphore(%arg12 : memref<!tpu.dma_semaphore, #tpu.memory_space<semaphore_mem>>) src(%dma_wait3A_262 : memref<8192x256xf32, #tpu.memory_space<hbm>>) dst(%arg8 : memref<64x256xf32, #tpu.memory_space<vmem>>)
    %dma_start3A_263 = arith.constant 0 : i32
    %dma_start3A_264 = arith.constant 0 : i32
    %dma_start3A_265 = tpu.memref_slice %arg7[%dma_start3A_263, %dma_start3A_264] : memref<64x64xi32, #tpu.memory_space<vmem>> -> memref<1x64xi32, #tpu.memory_space<vmem>>
    %dma_start3A_266 = tpu.memref_squeeze %dma_start3A_265 : memref<1x64xi32, #tpu.memory_space<vmem>> -> memref<64xi32, #tpu.memory_space<vmem>>
    %dma_start3A_267 = arith.constant 0 : i32
    %dma_start3A_268 = arith.constant 0 : i32
    %dma_start3A_269 = tpu.memref_slice %arg4[%dma_start3A_267, %dma_start3A_268] : memref<131072x256xf32, #tpu.memory_space<hbm>> -> memref<131072x256xf32, #tpu.memory_space<hbm>>
    tpu.enqueue_indirect_dma source(%arg8 : memref<64x256xf32, #tpu.memory_space<vmem>>) target(%dma_start3A_269 : memref<131072x256xf32, #tpu.memory_space<hbm>>) offsets(%dma_start3A_266 : memref<64xi32, #tpu.memory_space<vmem>>) semaphore(%arg13 : memref<!tpu.dma_semaphore, #tpu.memory_space<semaphore_mem>>)
    %dma_start3A_270 = arith.constant 2 : i32
    %dma_start3A_271 = arith.constant 0 : i32
    %dma_start3A_272 = tpu.memref_slice %arg6[%dma_start3A_270, %dma_start3A_271] : memref<64x64xi32, #tpu.memory_space<vmem>> -> memref<1x64xi32, #tpu.memory_space<vmem>>
    %dma_start3A_273 = tpu.memref_squeeze %dma_start3A_272 : memref<1x64xi32, #tpu.memory_space<vmem>> -> memref<64xi32, #tpu.memory_space<vmem>>
    %dma_start3A_274 = arith.constant 0 : i32
    %dma_start3A_275 = arith.constant 0 : i32
    %dma_start3A_276 = tpu.memref_slice %arg3[%dma_start3A_274, %dma_start3A_275] : memref<8192x256xf32, #tpu.memory_space<hbm>> -> memref<8192x256xf32, #tpu.memory_space<hbm>>
    tpu.enqueue_indirect_dma source(%dma_start3A_276 : memref<8192x256xf32, #tpu.memory_space<hbm>>) target(%arg10 : memref<64x256xf32, #tpu.memory_space<vmem>>) offsets(%dma_start3A_273 : memref<64xi32, #tpu.memory_space<vmem>>) semaphore(%arg12 : memref<!tpu.dma_semaphore, #tpu.memory_space<semaphore_mem>>)
    %get3A_277 = arith.constant 192 : index
    %get3A_278 = tpu.vector_load %arg5[%get3A_277] {strides = array<i32>} : memref<4096xi32, #tpu.memory_space<vmem>>, vector<16xi32>,
    %get3A_279 = vector.shape_cast %get3A_278 : vector<16xi32> to vector<16xi32>
    %add3A_280 = arith.addi %get3A_279, %mul3A_9 : vector<16xi32>
    %swap3A_281 = arith.constant 3 : i32
    %swap3A_282 = arith.index_cast %swap3A_281 : i32 to index
    %swap3A_283 = arith.constant 0 : index
    %swap3A_284 = tpu.vector_load %arg6[%swap3A_282, %swap3A_283] {strides = array<i32>} : memref<64x64xi32, #tpu.memory_space<vmem>>, vector<1x16xi32>,
    %swap3A_285 = vector.shape_cast %swap3A_284 : vector<1x16xi32> to vector<16xi32>
    %swap3A_286 = vector.shape_cast %add3A_280 : vector<16xi32> to vector<1x16xi32>
    tpu.vector_store %arg6[%swap3A_282, %swap3A_283], %swap3A_286 {strides = array<i32>} : memref<64x64xi32, #tpu.memory_space<vmem>>, vector<1x16xi32>,
    %add3A_287 = arith.constant 24 : i32
    %add3A_288 = vector.broadcast %add3A_287 : i32 to vector<16xi32>
    %add3A_289 = arith.addi %add3A_17, %add3A_288 : vector<16xi32>
    %swap3A_290 = arith.constant 3 : i32
    %swap3A_291 = arith.index_cast %swap3A_290 : i32 to index
    %swap3A_292 = arith.constant 0 : index
    %swap3A_293 = tpu.vector_load %arg7[%swap3A_291, %swap3A_292] {strides = array<i32>} : memref<64x64xi32, #tpu.memory_space<vmem>>, vector<1x16xi32>,
    %swap3A_294 = vector.shape_cast %swap3A_293 : vector<1x16xi32> to vector<16xi32>
    %swap3A_295 = vector.shape_cast %add3A_289 : vector<16xi32> to vector<1x16xi32>
    tpu.vector_store %arg7[%swap3A_291, %swap3A_292], %swap3A_295 {strides = array<i32>} : memref<64x64xi32, #tpu.memory_space<vmem>>, vector<1x16xi32>,
    %get3A_296 = arith.constant 208 : index
    %get3A_297 = tpu.vector_load %arg5[%get3A_296] {strides = array<i32>} : memref<4096xi32, #tpu.memory_space<vmem>>, vector<16xi32>,
    %get3A_298 = vector.shape_cast %get3A_297 : vector<16xi32> to vector<16xi32>
    %add3A_299 = arith.addi %get3A_298, %mul3A_9 : vector<16xi32>
    %swap3A_300 = arith.constant 3 : i32
    %swap3A_301 = arith.index_cast %swap3A_300 : i32 to index
    %swap3A_302 = arith.constant 16 : index
    %swap3A_303 = tpu.vector_load %arg6[%swap3A_301, %swap3A_302] {strides = array<i32>} : memref<64x64xi32, #tpu.memory_space<vmem>>, vector<1x16xi32>,
    %swap3A_304 = vector.shape_cast %swap3A_303 : vector<1x16xi32> to vector<16xi32>
    %swap3A_305 = vector.shape_cast %add3A_299 : vector<16xi32> to vector<1x16xi32>
    tpu.vector_store %arg6[%swap3A_301, %swap3A_302], %swap3A_305 {strides = array<i32>} : memref<64x64xi32, #tpu.memory_space<vmem>>, vector<1x16xi32>,
    %add3A_306 = arith.constant 26 : i32
    %add3A_307 = vector.broadcast %add3A_306 : i32 to vector<16xi32>
    %add3A_308 = arith.addi %add3A_17, %add3A_307 : vector<16xi32>
    %swap3A_309 = arith.constant 3 : i32
    %swap3A_310 = arith.index_cast %swap3A_309 : i32 to index
    %swap3A_311 = arith.constant 16 : index
    %swap3A_312 = tpu.vector_load %arg7[%swap3A_310, %swap3A_311] {strides = array<i32>} : memref<64x64xi32, #tpu.memory_space<vmem>>, vector<1x16xi32>,
    %swap3A_313 = vector.shape_cast %swap3A_312 : vector<1x16xi32> to vector<16xi32>
    %swap3A_314 = vector.shape_cast %add3A_308 : vector<16xi32> to vector<1x16xi32>
    tpu.vector_store %arg7[%swap3A_310, %swap3A_311], %swap3A_314 {strides = array<i32>} : memref<64x64xi32, #tpu.memory_space<vmem>>, vector<1x16xi32>,
    %get3A_315 = arith.constant 224 : index
    %get3A_316 = tpu.vector_load %arg5[%get3A_315] {strides = array<i32>} : memref<4096xi32, #tpu.memory_space<vmem>>, vector<16xi32>,
    %get3A_317 = vector.shape_cast %get3A_316 : vector<16xi32> to vector<16xi32>
    %add3A_318 = arith.addi %get3A_317, %mul3A_9 : vector<16xi32>
    %swap3A_319 = arith.constant 3 : i32
    %swap3A_320 = arith.index_cast %swap3A_319 : i32 to index
    %swap3A_321 = arith.constant 32 : index
    %swap3A_322 = tpu.vector_load %arg6[%swap3A_320, %swap3A_321] {strides = array<i32>} : memref<64x64xi32, #tpu.memory_space<vmem>>, vector<1x16xi32>,
    %swap3A_323 = vector.shape_cast %swap3A_322 : vector<1x16xi32> to vector<16xi32>
    %swap3A_324 = vector.shape_cast %add3A_318 : vector<16xi32> to vector<1x16xi32>
    tpu.vector_store %arg6[%swap3A_320, %swap3A_321], %swap3A_324 {strides = array<i32>} : memref<64x64xi32, #tpu.memory_space<vmem>>, vector<1x16xi32>,
    %add3A_325 = arith.constant 28 : i32
    %add3A_326 = vector.broadcast %add3A_325 : i32 to vector<16xi32>
    %add3A_327 = arith.addi %add3A_17, %add3A_326 : vector<16xi32>
    %swap3A_328 = arith.constant 3 : i32
    %swap3A_329 = arith.index_cast %swap3A_328 : i32 to index
    %swap3A_330 = arith.constant 32 : index
    %swap3A_331 = tpu.vector_load %arg7[%swap3A_329, %swap3A_330] {strides = array<i32>} : memref<64x64xi32, #tpu.memory_space<vmem>>, vector<1x16xi32>,
    %swap3A_332 = vector.shape_cast %swap3A_331 : vector<1x16xi32> to vector<16xi32>
    %swap3A_333 = vector.shape_cast %add3A_327 : vector<16xi32> to vector<1x16xi32>
    tpu.vector_store %arg7[%swap3A_329, %swap3A_330], %swap3A_333 {strides = array<i32>} : memref<64x64xi32, #tpu.memory_space<vmem>>, vector<1x16xi32>,
    %get3A_334 = arith.constant 240 : index
    %get3A_335 = tpu.vector_load %arg5[%get3A_334] {strides = array<i32>} : memref<4096xi32, #tpu.memory_space<vmem>>, vector<16xi32>,
    %get3A_336 = vector.shape_cast %get3A_335 : vector<16xi32> to vector<16xi32>
    %add3A_337 = arith.addi %get3A_336, %mul3A_9 : vector<16xi32>
    %swap3A_338 = arith.constant 3 : i32
    %swap3A_339 = arith.index_cast %swap3A_338 : i32 to index
    %swap3A_340 = arith.constant 48 : index
    %swap3A_341 = tpu.vector_load %arg6[%swap3A_339, %swap3A_340] {strides = array<i32>} : memref<64x64xi32, #tpu.memory_space<vmem>>, vector<1x16xi32>,
    %swap3A_342 = vector.shape_cast %swap3A_341 : vector<1x16xi32> to vector<16xi32>
    %swap3A_343 = vector.shape_cast %add3A_337 : vector<16xi32> to vector<1x16xi32>
    tpu.vector_store %arg6[%swap3A_339, %swap3A_340], %swap3A_343 {strides = array<i32>} : memref<64x64xi32, #tpu.memory_space<vmem>>, vector<1x16xi32>,
    %add3A_344 = arith.constant 30 : i32
    %add3A_345 = vector.broadcast %add3A_344 : i32 to vector<16xi32>
    %add3A_346 = arith.addi %add3A_17, %add3A_345 : vector<16xi32>
    %swap3A_347 = arith.constant 3 : i32
    %swap3A_348 = arith.index_cast %swap3A_347 : i32 to index
    %swap3A_349 = arith.constant 48 : index
    %swap3A_350 = tpu.vector_load %arg7[%swap3A_348, %swap3A_349] {strides = array<i32>} : memref<64x64xi32, #tpu.memory_space<vmem>>, vector<1x16xi32>,
    %swap3A_351 = vector.shape_cast %swap3A_350 : vector<1x16xi32> to vector<16xi32>
    %swap3A_352 = vector.shape_cast %add3A_346 : vector<16xi32> to vector<1x16xi32>
    tpu.vector_store %arg7[%swap3A_348, %swap3A_349], %swap3A_352 {strides = array<i32>} : memref<64x64xi32, #tpu.memory_space<vmem>>, vector<1x16xi32>,
    %dma_wait3A_353 = arith.constant 1 : i32
    %dma_wait3A_354 = arith.constant 0 : i32
    %dma_wait3A_355 = tpu.memref_slice %arg6[%dma_wait3A_353, %dma_wait3A_354] : memref<64x64xi32, #tpu.memory_space<vmem>> -> memref<1x64xi32, #tpu.memory_space<vmem>>
    %dma_wait3A_356 = tpu.memref_squeeze %dma_wait3A_355 : memref<1x64xi32, #tpu.memory_space<vmem>> -> memref<64xi32, #tpu.memory_space<vmem>>
    %dma_wait3A_357 = arith.constant 0 : i32
    %dma_wait3A_358 = arith.constant 0 : i32
    %dma_wait3A_359 = tpu.memref_slice %arg3[%dma_wait3A_357, %dma_wait3A_358] : memref<8192x256xf32, #tpu.memory_space<hbm>> -> memref<8192x256xf32, #tpu.memory_space<hbm>>
    tpu.wait_indirect_dma semaphore(%arg12 : memref<!tpu.dma_semaphore, #tpu.memory_space<semaphore_mem>>) src(%dma_wait3A_359 : memref<8192x256xf32, #tpu.memory_space<hbm>>) dst(%arg9 : memref<64x256xf32, #tpu.memory_space<vmem>>)
    %dma_start3A_360 = arith.constant 1 : i32
    %dma_start3A_361 = arith.constant 0 : i32
    %dma_start3A_362 = tpu.memref_slice %arg7[%dma_start3A_360, %dma_start3A_361] : memref<64x64xi32, #tpu.memory_space<vmem>> -> memref<1x64xi32, #tpu.memory_space<vmem>>
    %dma_start3A_363 = tpu.memref_squeeze %dma_start3A_362 : memref<1x64xi32, #tpu.memory_space<vmem>> -> memref<64xi32, #tpu.memory_space<vmem>>
    %dma_start3A_364 = arith.constant 0 : i32
    %dma_start3A_365 = arith.constant 0 : i32
    %dma_start3A_366 = tpu.memref_slice %arg4[%dma_start3A_364, %dma_start3A_365] : memref<131072x256xf32, #tpu.memory_space<hbm>> -> memref<131072x256xf32, #tpu.memory_space<hbm>>
    tpu.enqueue_indirect_dma source(%arg9 : memref<64x256xf32, #tpu.memory_space<vmem>>) target(%dma_start3A_366 : memref<131072x256xf32, #tpu.memory_space<hbm>>) offsets(%dma_start3A_363 : memref<64xi32, #tpu.memory_space<vmem>>) semaphore(%arg13 : memref<!tpu.dma_semaphore, #tpu.memory_space<semaphore_mem>>)
    %dma_start3A_367 = arith.constant 3 : i32
    %dma_start3A_368 = arith.constant 0 : i32
    %dma_start3A_369 = tpu.memref_slice %arg6[%dma_start3A_367, %dma_start3A_368] : memref<64x64xi32, #tpu.memory_space<vmem>> -> memref<1x64xi32, #tpu.memory_space<vmem>>
    %dma_start3A_370 = tpu.memref_squeeze %dma_start3A_369 : memref<1x64xi32, #tpu.memory_space<vmem>> -> memref<64xi32, #tpu.memory_space<vmem>>
    %dma_start3A_371 = arith.constant 0 : i32
    %dma_start3A_372 = arith.constant 0 : i32
    %dma_start3A_373 = tpu.memref_slice %arg3[%dma_start3A_371, %dma_start3A_372] : memref<8192x256xf32, #tpu.memory_space<hbm>> -> memref<8192x256xf32, #tpu.memory_space<hbm>>
    tpu.enqueue_indirect_dma source(%dma_start3A_373 : memref<8192x256xf32, #tpu.memory_space<hbm>>) target(%arg11 : memref<64x256xf32, #tpu.memory_space<vmem>>) offsets(%dma_start3A_370 : memref<64xi32, #tpu.memory_space<vmem>>) semaphore(%arg12 : memref<!tpu.dma_semaphore, #tpu.memory_space<semaphore_mem>>)
    %scan3A = arith.constant 0 : i32
    %scan3A_374 = arith.constant 0 : i32
    %scan3A_375 = arith.constant 15 : i32
    %scan3A_376 = arith.addi %scan3A_374, %scan3A_375 : i32
    %scan3A_377 = arith.constant 1 : i32
    scf.for %scan3A_435 = %scan3A_374 to %scan3A_376 step %scan3A_377  : i32 {
      %mul3A_436 = arith.constant 4 : i32
      %mul3A_437 = arith.muli %mul3A_436, %scan3A_435 : i32
      %add3A_438 = arith.constant 2 : i32
      %add3A_439 = arith.addi %mul3A_437, %add3A_438 : i32
      %add3A_440 = arith.constant 0 : i32
      %add3A_441 = arith.addi %add3A_439, %add3A_440 : i32
      %dma_wait3A_442 = arith.constant 0 : i32
      %dma_wait3A_443 = tpu.memref_slice %arg6[%add3A_441, %dma_wait3A_442] : memref<64x64xi32, #tpu.memory_space<vmem>> -> memref<1x64xi32, #tpu.memory_space<vmem>>
      %dma_wait3A_444 = tpu.memref_squeeze %dma_wait3A_443 : memref<1x64xi32, #tpu.memory_space<vmem>> -> memref<64xi32, #tpu.memory_space<vmem>>
      %dma_wait3A_445 = arith.constant 0 : i32
      %dma_wait3A_446 = arith.constant 0 : i32
      %dma_wait3A_447 = tpu.memref_slice %arg3[%dma_wait3A_445, %dma_wait3A_446] : memref<8192x256xf32, #tpu.memory_space<hbm>> -> memref<8192x256xf32, #tpu.memory_space<hbm>>
      tpu.wait_indirect_dma semaphore(%arg12 : memref<!tpu.dma_semaphore, #tpu.memory_space<semaphore_mem>>) src(%dma_wait3A_447 : memref<8192x256xf32, #tpu.memory_space<hbm>>) dst(%arg10 : memref<64x256xf32, #tpu.memory_space<vmem>>)
      %dma_start3A_448 = arith.constant 0 : i32
      %dma_start3A_449 = tpu.memref_slice %arg7[%add3A_441, %dma_start3A_448] : memref<64x64xi32, #tpu.memory_space<vmem>> -> memref<1x64xi32, #tpu.memory_space<vmem>>
      %dma_start3A_450 = tpu.memref_squeeze %dma_start3A_449 : memref<1x64xi32, #tpu.memory_space<vmem>> -> memref<64xi32, #tpu.memory_space<vmem>>
      %dma_start3A_451 = arith.constant 0 : i32
      %dma_start3A_452 = arith.constant 0 : i32
      %dma_start3A_453 = tpu.memref_slice %arg4[%dma_start3A_451, %dma_start3A_452] : memref<131072x256xf32, #tpu.memory_space<hbm>> -> memref<131072x256xf32, #tpu.memory_space<hbm>>
      tpu.enqueue_indirect_dma source(%arg10 : memref<64x256xf32, #tpu.memory_space<vmem>>) target(%dma_start3A_453 : memref<131072x256xf32, #tpu.memory_space<hbm>>) offsets(%dma_start3A_450 : memref<64xi32, #tpu.memory_space<vmem>>) semaphore(%arg13 : memref<!tpu.dma_semaphore, #tpu.memory_space<semaphore_mem>>)
      %sub3A = arith.constant 2 : i32
      %sub3A_454 = arith.subi %add3A_441, %sub3A : i32
      %dma_wait3A_455 = arith.constant 0 : i32
      %dma_wait3A_456 = tpu.memref_slice %arg7[%sub3A_454, %dma_wait3A_455] : memref<64x64xi32, #tpu.memory_space<vmem>> -> memref<1x64xi32, #tpu.memory_space<vmem>>
      %dma_wait3A_457 = tpu.memref_squeeze %dma_wait3A_456 : memref<1x64xi32, #tpu.memory_space<vmem>> -> memref<64xi32, #tpu.memory_space<vmem>>
      %dma_wait3A_458 = arith.constant 0 : i32
      %dma_wait3A_459 = arith.constant 0 : i32
      %dma_wait3A_460 = tpu.memref_slice %arg4[%dma_wait3A_458, %dma_wait3A_459] : memref<131072x256xf32, #tpu.memory_space<hbm>> -> memref<131072x256xf32, #tpu.memory_space<hbm>>
      tpu.wait_indirect_dma semaphore(%arg13 : memref<!tpu.dma_semaphore, #tpu.memory_space<semaphore_mem>>) src(%arg8 : memref<64x256xf32, #tpu.memory_space<vmem>>) dst(%dma_wait3A_460 : memref<131072x256xf32, #tpu.memory_space<hbm>>)
      %add3A_461 = arith.constant 2 : i32
      %add3A_462 = arith.addi %add3A_441, %add3A_461 : i32
      %mul3A_463 = arith.constant 4 : i32
      %mul3A_464 = arith.muli %add3A_462, %mul3A_463 : i32
      %add3A_465 = arith.constant 0 : i32
      %add3A_466 = arith.addi %mul3A_464, %add3A_465 : i32
      %mul3A_467 = arith.constant 16 : i32
      %mul3A_468 = arith.muli %add3A_466, %mul3A_467 : i32
      %get3A_469 = arith.index_cast %mul3A_468 : i32 to index
      %get3A_470 = tpu.vector_load %arg5[%get3A_469] {strides = array<i32>} : memref<4096xi32, #tpu.memory_space<vmem>>, vector<16xi32>,
      %get3A_471 = vector.shape_cast %get3A_470 : vector<16xi32> to vector<16xi32>
      %add3A_472 = arith.addi %get3A_471, %mul3A_9 : vector<16xi32>
      %swap3A_473 = arith.index_cast %add3A_462 : i32 to index
      %swap3A_474 = arith.constant 0 : index
      %swap3A_475 = tpu.vector_load %arg6[%swap3A_473, %swap3A_474] {strides = array<i32>} : memref<64x64xi32, #tpu.memory_space<vmem>>, vector<1x16xi32>,
      %swap3A_476 = vector.shape_cast %swap3A_475 : vector<1x16xi32> to vector<16xi32>
      %swap3A_477 = vector.shape_cast %add3A_472 : vector<16xi32> to vector<1x16xi32>
      tpu.vector_store %arg6[%swap3A_473, %swap3A_474], %swap3A_477 {strides = array<i32>} : memref<64x64xi32, #tpu.memory_space<vmem>>, vector<1x16xi32>,
      %mul3A_478 = arith.constant 2 : i32
      %mul3A_479 = arith.muli %add3A_466, %mul3A_478 : i32
      %add3A_480 = vector.broadcast %mul3A_479 : i32 to vector<16xi32>
      %add3A_481 = arith.addi %add3A_17, %add3A_480 : vector<16xi32>
      %swap3A_482 = arith.index_cast %add3A_462 : i32 to index
      %swap3A_483 = arith.constant 0 : index
      %swap3A_484 = tpu.vector_load %arg7[%swap3A_482, %swap3A_483] {strides = array<i32>} : memref<64x64xi32, #tpu.memory_space<vmem>>, vector<1x16xi32>,
      %swap3A_485 = vector.shape_cast %swap3A_484 : vector<1x16xi32> to vector<16xi32>
      %swap3A_486 = vector.shape_cast %add3A_481 : vector<16xi32> to vector<1x16xi32>
      tpu.vector_store %arg7[%swap3A_482, %swap3A_483], %swap3A_486 {strides = array<i32>} : memref<64x64xi32, #tpu.memory_space<vmem>>, vector<1x16xi32>,
      %mul3A_487 = arith.constant 4 : i32
      %mul3A_488 = arith.muli %add3A_462, %mul3A_487 : i32
      %add3A_489 = arith.constant 1 : i32
      %add3A_490 = arith.addi %mul3A_488, %add3A_489 : i32
      %mul3A_491 = arith.constant 16 : i32
      %mul3A_492 = arith.muli %add3A_490, %mul3A_491 : i32
      %get3A_493 = arith.index_cast %mul3A_492 : i32 to index
      %get3A_494 = tpu.vector_load %arg5[%get3A_493] {strides = array<i32>} : memref<4096xi32, #tpu.memory_space<vmem>>, vector<16xi32>,
      %get3A_495 = vector.shape_cast %get3A_494 : vector<16xi32> to vector<16xi32>
      %add3A_496 = arith.addi %get3A_495, %mul3A_9 : vector<16xi32>
      %swap3A_497 = arith.index_cast %add3A_462 : i32 to index
      %swap3A_498 = arith.constant 16 : index
      %swap3A_499 = tpu.vector_load %arg6[%swap3A_497, %swap3A_498] {strides = array<i32>} : memref<64x64xi32, #tpu.memory_space<vmem>>, vector<1x16xi32>,
      %swap3A_500 = vector.shape_cast %swap3A_499 : vector<1x16xi32> to vector<16xi32>
      %swap3A_501 = vector.shape_cast %add3A_496 : vector<16xi32> to vector<1x16xi32>
      tpu.vector_store %arg6[%swap3A_497, %swap3A_498], %swap3A_501 {strides = array<i32>} : memref<64x64xi32, #tpu.memory_space<vmem>>, vector<1x16xi32>,
      %mul3A_502 = arith.constant 2 : i32
      %mul3A_503 = arith.muli %add3A_490, %mul3A_502 : i32
      %add3A_504 = vector.broadcast %mul3A_503 : i32 to vector<16xi32>
      %add3A_505 = arith.addi %add3A_17, %add3A_504 : vector<16xi32>
      %swap3A_506 = arith.index_cast %add3A_462 : i32 to index
      %swap3A_507 = arith.constant 16 : index
      %swap3A_508 = tpu.vector_load %arg7[%swap3A_506, %swap3A_507] {strides = array<i32>} : memref<64x64xi32, #tpu.memory_space<vmem>>, vector<1x16xi32>,
      %swap3A_509 = vector.shape_cast %swap3A_508 : vector<1x16xi32> to vector<16xi32>
      %swap3A_510 = vector.shape_cast %add3A_505 : vector<16xi32> to vector<1x16xi32>
      tpu.vector_store %arg7[%swap3A_506, %swap3A_507], %swap3A_510 {strides = array<i32>} : memref<64x64xi32, #tpu.memory_space<vmem>>, vector<1x16xi32>,
      %mul3A_511 = arith.constant 4 : i32
      %mul3A_512 = arith.muli %add3A_462, %mul3A_511 : i32
      %add3A_513 = arith.constant 2 : i32
      %add3A_514 = arith.addi %mul3A_512, %add3A_513 : i32
      %mul3A_515 = arith.constant 16 : i32
      %mul3A_516 = arith.muli %add3A_514, %mul3A_515 : i32
      %get3A_517 = arith.index_cast %mul3A_516 : i32 to index
      %get3A_518 = tpu.vector_load %arg5[%get3A_517] {strides = array<i32>} : memref<4096xi32, #tpu.memory_space<vmem>>, vector<16xi32>,
      %get3A_519 = vector.shape_cast %get3A_518 : vector<16xi32> to vector<16xi32>
      %add3A_520 = arith.addi %get3A_519, %mul3A_9 : vector<16xi32>
      %swap3A_521 = arith.index_cast %add3A_462 : i32 to index
      %swap3A_522 = arith.constant 32 : index
      %swap3A_523 = tpu.vector_load %arg6[%swap3A_521, %swap3A_522] {strides = array<i32>} : memref<64x64xi32, #tpu.memory_space<vmem>>, vector<1x16xi32>,
      %swap3A_524 = vector.shape_cast %swap3A_523 : vector<1x16xi32> to vector<16xi32>
      %swap3A_525 = vector.shape_cast %add3A_520 : vector<16xi32> to vector<1x16xi32>
      tpu.vector_store %arg6[%swap3A_521, %swap3A_522], %swap3A_525 {strides = array<i32>} : memref<64x64xi32, #tpu.memory_space<vmem>>, vector<1x16xi32>,
      %mul3A_526 = arith.constant 2 : i32
      %mul3A_527 = arith.muli %add3A_514, %mul3A_526 : i32
      %add3A_528 = vector.broadcast %mul3A_527 : i32 to vector<16xi32>
      %add3A_529 = arith.addi %add3A_17, %add3A_528 : vector<16xi32>
      %swap3A_530 = arith.index_cast %add3A_462 : i32 to index
      %swap3A_531 = arith.constant 32 : index
      %swap3A_532 = tpu.vector_load %arg7[%swap3A_530, %swap3A_531] {strides = array<i32>} : memref<64x64xi32, #tpu.memory_space<vmem>>, vector<1x16xi32>,
      %swap3A_533 = vector.shape_cast %swap3A_532 : vector<1x16xi32> to vector<16xi32>
      %swap3A_534 = vector.shape_cast %add3A_529 : vector<16xi32> to vector<1x16xi32>
      tpu.vector_store %arg7[%swap3A_530, %swap3A_531], %swap3A_534 {strides = array<i32>} : memref<64x64xi32, #tpu.memory_space<vmem>>, vector<1x16xi32>,
      %mul3A_535 = arith.constant 4 : i32
      %mul3A_536 = arith.muli %add3A_462, %mul3A_535 : i32
      %add3A_537 = arith.constant 3 : i32
      %add3A_538 = arith.addi %mul3A_536, %add3A_537 : i32
      %mul3A_539 = arith.constant 16 : i32
      %mul3A_540 = arith.muli %add3A_538, %mul3A_539 : i32
      %get3A_541 = arith.index_cast %mul3A_540 : i32 to index
      %get3A_542 = tpu.vector_load %arg5[%get3A_541] {strides = array<i32>} : memref<4096xi32, #tpu.memory_space<vmem>>, vector<16xi32>,
      %get3A_543 = vector.shape_cast %get3A_542 : vector<16xi32> to vector<16xi32>
      %add3A_544 = arith.addi %get3A_543, %mul3A_9 : vector<16xi32>
      %swap3A_545 = arith.index_cast %add3A_462 : i32 to index
      %swap3A_546 = arith.constant 48 : index
      %swap3A_547 = tpu.vector_load %arg6[%swap3A_545, %swap3A_546] {strides = array<i32>} : memref<64x64xi32, #tpu.memory_space<vmem>>, vector<1x16xi32>,
      %swap3A_548 = vector.shape_cast %swap3A_547 : vector<1x16xi32> to vector<16xi32>
      %swap3A_549 = vector.shape_cast %add3A_544 : vector<16xi32> to vector<1x16xi32>
      tpu.vector_store %arg6[%swap3A_545, %swap3A_546], %swap3A_549 {strides = array<i32>} : memref<64x64xi32, #tpu.memory_space<vmem>>, vector<1x16xi32>,
      %mul3A_550 = arith.constant 2 : i32
      %mul3A_551 = arith.muli %add3A_538, %mul3A_550 : i32
      %add3A_552 = vector.broadcast %mul3A_551 : i32 to vector<16xi32>
      %add3A_553 = arith.addi %add3A_17, %add3A_552 : vector<16xi32>
      %swap3A_554 = arith.index_cast %add3A_462 : i32 to index
      %swap3A_555 = arith.constant 48 : index
      %swap3A_556 = tpu.vector_load %arg7[%swap3A_554, %swap3A_555] {strides = array<i32>} : memref<64x64xi32, #tpu.memory_space<vmem>>, vector<1x16xi32>,
      %swap3A_557 = vector.shape_cast %swap3A_556 : vector<1x16xi32> to vector<16xi32>
      %swap3A_558 = vector.shape_cast %add3A_553 : vector<16xi32> to vector<1x16xi32>
      tpu.vector_store %arg7[%swap3A_554, %swap3A_555], %swap3A_558 {strides = array<i32>} : memref<64x64xi32, #tpu.memory_space<vmem>>, vector<1x16xi32>,
      %add3A_559 = arith.constant 2 : i32
      %add3A_560 = arith.addi %add3A_441, %add3A_559 : i32
      %dma_start3A_561 = arith.constant 0 : i32
      %dma_start3A_562 = tpu.memref_slice %arg6[%add3A_560, %dma_start3A_561] : memref<64x64xi32, #tpu.memory_space<vmem>> -> memref<1x64xi32, #tpu.memory_space<vmem>>
      %dma_start3A_563 = tpu.memref_squeeze %dma_start3A_562 : memref<1x64xi32, #tpu.memory_space<vmem>> -> memref<64xi32, #tpu.memory_space<vmem>>
      %dma_start3A_564 = arith.constant 0 : i32
      %dma_start3A_565 = arith.constant 0 : i32
      %dma_start3A_566 = tpu.memref_slice %arg3[%dma_start3A_564, %dma_start3A_565] : memref<8192x256xf32, #tpu.memory_space<hbm>> -> memref<8192x256xf32, #tpu.memory_space<hbm>>
      tpu.enqueue_indirect_dma source(%dma_start3A_566 : memref<8192x256xf32, #tpu.memory_space<hbm>>) target(%arg8 : memref<64x256xf32, #tpu.memory_space<vmem>>) offsets(%dma_start3A_563 : memref<64xi32, #tpu.memory_space<vmem>>) semaphore(%arg12 : memref<!tpu.dma_semaphore, #tpu.memory_space<semaphore_mem>>)
      %mul3A_567 = arith.constant 4 : i32
      %mul3A_568 = arith.muli %mul3A_567, %scan3A_435 : i32
      %add3A_569 = arith.constant 2 : i32
      %add3A_570 = arith.addi %mul3A_568, %add3A_569 : i32
      %add3A_571 = arith.constant 1 : i32
      %add3A_572 = arith.addi %add3A_570, %add3A_571 : i32
      %dma_wait3A_573 = arith.constant 0 : i32
      %dma_wait3A_574 = tpu.memref_slice %arg6[%add3A_572, %dma_wait3A_573] : memref<64x64xi32, #tpu.memory_space<vmem>> -> memref<1x64xi32, #tpu.memory_space<vmem>>
      %dma_wait3A_575 = tpu.memref_squeeze %dma_wait3A_574 : memref<1x64xi32, #tpu.memory_space<vmem>> -> memref<64xi32, #tpu.memory_space<vmem>>
      %dma_wait3A_576 = arith.constant 0 : i32
      %dma_wait3A_577 = arith.constant 0 : i32
      %dma_wait3A_578 = tpu.memref_slice %arg3[%dma_wait3A_576, %dma_wait3A_577] : memref<8192x256xf32, #tpu.memory_space<hbm>> -> memref<8192x256xf32, #tpu.memory_space<hbm>>
      tpu.wait_indirect_dma semaphore(%arg12 : memref<!tpu.dma_semaphore, #tpu.memory_space<semaphore_mem>>) src(%dma_wait3A_578 : memref<8192x256xf32, #tpu.memory_space<hbm>>) dst(%arg11 : memref<64x256xf32, #tpu.memory_space<vmem>>)
      %dma_start3A_579 = arith.constant 0 : i32
      %dma_start3A_580 = tpu.memref_slice %arg7[%add3A_572, %dma_start3A_579] : memref<64x64xi32, #tpu.memory_space<vmem>> -> memref<1x64xi32, #tpu.memory_space<vmem>>
      %dma_start3A_581 = tpu.memref_squeeze %dma_start3A_580 : memref<1x64xi32, #tpu.memory_space<vmem>> -> memref<64xi32, #tpu.memory_space<vmem>>
      %dma_start3A_582 = arith.constant 0 : i32
      %dma_start3A_583 = arith.constant 0 : i32
      %dma_start3A_584 = tpu.memref_slice %arg4[%dma_start3A_582, %dma_start3A_583] : memref<131072x256xf32, #tpu.memory_space<hbm>> -> memref<131072x256xf32, #tpu.memory_space<hbm>>
      tpu.enqueue_indirect_dma source(%arg11 : memref<64x256xf32, #tpu.memory_space<vmem>>) target(%dma_start3A_584 : memref<131072x256xf32, #tpu.memory_space<hbm>>) offsets(%dma_start3A_581 : memref<64xi32, #tpu.memory_space<vmem>>) semaphore(%arg13 : memref<!tpu.dma_semaphore, #tpu.memory_space<semaphore_mem>>)
      %sub3A_585 = arith.constant 2 : i32
      %sub3A_586 = arith.subi %add3A_572, %sub3A_585 : i32
      %dma_wait3A_587 = arith.constant 0 : i32
      %dma_wait3A_588 = tpu.memref_slice %arg7[%sub3A_586, %dma_wait3A_587] : memref<64x64xi32, #tpu.memory_space<vmem>> -> memref<1x64xi32, #tpu.memory_space<vmem>>
      %dma_wait3A_589 = tpu.memref_squeeze %dma_wait3A_588 : memref<1x64xi32, #tpu.memory_space<vmem>> -> memref<64xi32, #tpu.memory_space<vmem>>
      %dma_wait3A_590 = arith.constant 0 : i32
      %dma_wait3A_591 = arith.constant 0 : i32
      %dma_wait3A_592 = tpu.memref_slice %arg4[%dma_wait3A_590, %dma_wait3A_591] : memref<131072x256xf32, #tpu.memory_space<hbm>> -> memref<131072x256xf32, #tpu.memory_space<hbm>>
      tpu.wait_indirect_dma semaphore(%arg13 : memref<!tpu.dma_semaphore, #tpu.memory_space<semaphore_mem>>) src(%arg9 : memref<64x256xf32, #tpu.memory_space<vmem>>) dst(%dma_wait3A_592 : memref<131072x256xf32, #tpu.memory_space<hbm>>)
      %add3A_593 = arith.constant 2 : i32
      %add3A_594 = arith.addi %add3A_572, %add3A_593 : i32
      %mul3A_595 = arith.constant 4 : i32
      %mul3A_596 = arith.muli %add3A_594, %mul3A_595 : i32
      %add3A_597 = arith.constant 0 : i32
      %add3A_598 = arith.addi %mul3A_596, %add3A_597 : i32
      %mul3A_599 = arith.constant 16 : i32
      %mul3A_600 = arith.muli %add3A_598, %mul3A_599 : i32
      %get3A_601 = arith.index_cast %mul3A_600 : i32 to index
      %get3A_602 = tpu.vector_load %arg5[%get3A_601] {strides = array<i32>} : memref<4096xi32, #tpu.memory_space<vmem>>, vector<16xi32>,
      %get3A_603 = vector.shape_cast %get3A_602 : vector<16xi32> to vector<16xi32>
      %add3A_604 = arith.addi %get3A_603, %mul3A_9 : vector<16xi32>
      %swap3A_605 = arith.index_cast %add3A_594 : i32 to index
      %swap3A_606 = arith.constant 0 : index
      %swap3A_607 = tpu.vector_load %arg6[%swap3A_605, %swap3A_606] {strides = array<i32>} : memref<64x64xi32, #tpu.memory_space<vmem>>, vector<1x16xi32>,
      %swap3A_608 = vector.shape_cast %swap3A_607 : vector<1x16xi32> to vector<16xi32>
      %swap3A_609 = vector.shape_cast %add3A_604 : vector<16xi32> to vector<1x16xi32>
      tpu.vector_store %arg6[%swap3A_605, %swap3A_606], %swap3A_609 {strides = array<i32>} : memref<64x64xi32, #tpu.memory_space<vmem>>, vector<1x16xi32>,
      %mul3A_610 = arith.constant 2 : i32
      %mul3A_611 = arith.muli %add3A_598, %mul3A_610 : i32
      %add3A_612 = vector.broadcast %mul3A_611 : i32 to vector<16xi32>
      %add3A_613 = arith.addi %add3A_17, %add3A_612 : vector<16xi32>
      %swap3A_614 = arith.index_cast %add3A_594 : i32 to index
      %swap3A_615 = arith.constant 0 : index
      %swap3A_616 = tpu.vector_load %arg7[%swap3A_614, %swap3A_615] {strides = array<i32>} : memref<64x64xi32, #tpu.memory_space<vmem>>, vector<1x16xi32>,
      %swap3A_617 = vector.shape_cast %swap3A_616 : vector<1x16xi32> to vector<16xi32>
      %swap3A_618 = vector.shape_cast %add3A_613 : vector<16xi32> to vector<1x16xi32>
      tpu.vector_store %arg7[%swap3A_614, %swap3A_615], %swap3A_618 {strides = array<i32>} : memref<64x64xi32, #tpu.memory_space<vmem>>, vector<1x16xi32>,
      %mul3A_619 = arith.constant 4 : i32
      %mul3A_620 = arith.muli %add3A_594, %mul3A_619 : i32
      %add3A_621 = arith.constant 1 : i32
      %add3A_622 = arith.addi %mul3A_620, %add3A_621 : i32
      %mul3A_623 = arith.constant 16 : i32
      %mul3A_624 = arith.muli %add3A_622, %mul3A_623 : i32
      %get3A_625 = arith.index_cast %mul3A_624 : i32 to index
      %get3A_626 = tpu.vector_load %arg5[%get3A_625] {strides = array<i32>} : memref<4096xi32, #tpu.memory_space<vmem>>, vector<16xi32>,
      %get3A_627 = vector.shape_cast %get3A_626 : vector<16xi32> to vector<16xi32>
      %add3A_628 = arith.addi %get3A_627, %mul3A_9 : vector<16xi32>
      %swap3A_629 = arith.index_cast %add3A_594 : i32 to index
      %swap3A_630 = arith.constant 16 : index
      %swap3A_631 = tpu.vector_load %arg6[%swap3A_629, %swap3A_630] {strides = array<i32>} : memref<64x64xi32, #tpu.memory_space<vmem>>, vector<1x16xi32>,
      %swap3A_632 = vector.shape_cast %swap3A_631 : vector<1x16xi32> to vector<16xi32>
      %swap3A_633 = vector.shape_cast %add3A_628 : vector<16xi32> to vector<1x16xi32>
      tpu.vector_store %arg6[%swap3A_629, %swap3A_630], %swap3A_633 {strides = array<i32>} : memref<64x64xi32, #tpu.memory_space<vmem>>, vector<1x16xi32>,
      %mul3A_634 = arith.constant 2 : i32
      %mul3A_635 = arith.muli %add3A_622, %mul3A_634 : i32
      %add3A_636 = vector.broadcast %mul3A_635 : i32 to vector<16xi32>
      %add3A_637 = arith.addi %add3A_17, %add3A_636 : vector<16xi32>
      %swap3A_638 = arith.index_cast %add3A_594 : i32 to index
      %swap3A_639 = arith.constant 16 : index
      %swap3A_640 = tpu.vector_load %arg7[%swap3A_638, %swap3A_639] {strides = array<i32>} : memref<64x64xi32, #tpu.memory_space<vmem>>, vector<1x16xi32>,
      %swap3A_641 = vector.shape_cast %swap3A_640 : vector<1x16xi32> to vector<16xi32>
      %swap3A_642 = vector.shape_cast %add3A_637 : vector<16xi32> to vector<1x16xi32>
      tpu.vector_store %arg7[%swap3A_638, %swap3A_639], %swap3A_642 {strides = array<i32>} : memref<64x64xi32, #tpu.memory_space<vmem>>, vector<1x16xi32>,
      %mul3A_643 = arith.constant 4 : i32
      %mul3A_644 = arith.muli %add3A_594, %mul3A_643 : i32
      %add3A_645 = arith.constant 2 : i32
      %add3A_646 = arith.addi %mul3A_644, %add3A_645 : i32
      %mul3A_647 = arith.constant 16 : i32
      %mul3A_648 = arith.muli %add3A_646, %mul3A_647 : i32
      %get3A_649 = arith.index_cast %mul3A_648 : i32 to index
      %get3A_650 = tpu.vector_load %arg5[%get3A_649] {strides = array<i32>} : memref<4096xi32, #tpu.memory_space<vmem>>, vector<16xi32>,
      %get3A_651 = vector.shape_cast %get3A_650 : vector<16xi32> to vector<16xi32>
      %add3A_652 = arith.addi %get3A_651, %mul3A_9 : vector<16xi32>
      %swap3A_653 = arith.index_cast %add3A_594 : i32 to index
      %swap3A_654 = arith.constant 32 : index
      %swap3A_655 = tpu.vector_load %arg6[%swap3A_653, %swap3A_654] {strides = array<i32>} : memref<64x64xi32, #tpu.memory_space<vmem>>, vector<1x16xi32>,
      %swap3A_656 = vector.shape_cast %swap3A_655 : vector<1x16xi32> to vector<16xi32>
      %swap3A_657 = vector.shape_cast %add3A_652 : vector<16xi32> to vector<1x16xi32>
      tpu.vector_store %arg6[%swap3A_653, %swap3A_654], %swap3A_657 {strides = array<i32>} : memref<64x64xi32, #tpu.memory_space<vmem>>, vector<1x16xi32>,
      %mul3A_658 = arith.constant 2 : i32
      %mul3A_659 = arith.muli %add3A_646, %mul3A_658 : i32
      %add3A_660 = vector.broadcast %mul3A_659 : i32 to vector<16xi32>
      %add3A_661 = arith.addi %add3A_17, %add3A_660 : vector<16xi32>
      %swap3A_662 = arith.index_cast %add3A_594 : i32 to index
      %swap3A_663 = arith.constant 32 : index
      %swap3A_664 = tpu.vector_load %arg7[%swap3A_662, %swap3A_663] {strides = array<i32>} : memref<64x64xi32, #tpu.memory_space<vmem>>, vector<1x16xi32>,
      %swap3A_665 = vector.shape_cast %swap3A_664 : vector<1x16xi32> to vector<16xi32>
      %swap3A_666 = vector.shape_cast %add3A_661 : vector<16xi32> to vector<1x16xi32>
      tpu.vector_store %arg7[%swap3A_662, %swap3A_663], %swap3A_666 {strides = array<i32>} : memref<64x64xi32, #tpu.memory_space<vmem>>, vector<1x16xi32>,
      %mul3A_667 = arith.constant 4 : i32
      %mul3A_668 = arith.muli %add3A_594, %mul3A_667 : i32
      %add3A_669 = arith.constant 3 : i32
      %add3A_670 = arith.addi %mul3A_668, %add3A_669 : i32
      %mul3A_671 = arith.constant 16 : i32
      %mul3A_672 = arith.muli %add3A_670, %mul3A_671 : i32
      %get3A_673 = arith.index_cast %mul3A_672 : i32 to index
      %get3A_674 = tpu.vector_load %arg5[%get3A_673] {strides = array<i32>} : memref<4096xi32, #tpu.memory_space<vmem>>, vector<16xi32>,
      %get3A_675 = vector.shape_cast %get3A_674 : vector<16xi32> to vector<16xi32>
      %add3A_676 = arith.addi %get3A_675, %mul3A_9 : vector<16xi32>
      %swap3A_677 = arith.index_cast %add3A_594 : i32 to index
      %swap3A_678 = arith.constant 48 : index
      %swap3A_679 = tpu.vector_load %arg6[%swap3A_677, %swap3A_678] {strides = array<i32>} : memref<64x64xi32, #tpu.memory_space<vmem>>, vector<1x16xi32>,
      %swap3A_680 = vector.shape_cast %swap3A_679 : vector<1x16xi32> to vector<16xi32>
      %swap3A_681 = vector.shape_cast %add3A_676 : vector<16xi32> to vector<1x16xi32>
      tpu.vector_store %arg6[%swap3A_677, %swap3A_678], %swap3A_681 {strides = array<i32>} : memref<64x64xi32, #tpu.memory_space<vmem>>, vector<1x16xi32>,
      %mul3A_682 = arith.constant 2 : i32
      %mul3A_683 = arith.muli %add3A_670, %mul3A_682 : i32
      %add3A_684 = vector.broadcast %mul3A_683 : i32 to vector<16xi32>
      %add3A_685 = arith.addi %add3A_17, %add3A_684 : vector<16xi32>
      %swap3A_686 = arith.index_cast %add3A_594 : i32 to index
      %swap3A_687 = arith.constant 48 : index
      %swap3A_688 = tpu.vector_load %arg7[%swap3A_686, %swap3A_687] {strides = array<i32>} : memref<64x64xi32, #tpu.memory_space<vmem>>, vector<1x16xi32>,
      %swap3A_689 = vector.shape_cast %swap3A_688 : vector<1x16xi32> to vector<16xi32>
      %swap3A_690 = vector.shape_cast %add3A_685 : vector<16xi32> to vector<1x16xi32>
      tpu.vector_store %arg7[%swap3A_686, %swap3A_687], %swap3A_690 {strides = array<i32>} : memref<64x64xi32, #tpu.memory_space<vmem>>, vector<1x16xi32>,
      %add3A_691 = arith.constant 2 : i32
      %add3A_692 = arith.addi %add3A_572, %add3A_691 : i32
      %dma_start3A_693 = arith.constant 0 : i32
      %dma_start3A_694 = tpu.memref_slice %arg6[%add3A_692, %dma_start3A_693] : memref<64x64xi32, #tpu.memory_space<vmem>> -> memref<1x64xi32, #tpu.memory_space<vmem>>
      %dma_start3A_695 = tpu.memref_squeeze %dma_start3A_694 : memref<1x64xi32, #tpu.memory_space<vmem>> -> memref<64xi32, #tpu.memory_space<vmem>>
      %dma_start3A_696 = arith.constant 0 : i32
      %dma_start3A_697 = arith.constant 0 : i32
      %dma_start3A_698 = tpu.memref_slice %arg3[%dma_start3A_696, %dma_start3A_697] : memref<8192x256xf32, #tpu.memory_space<hbm>> -> memref<8192x256xf32, #tpu.memory_space<hbm>>
      tpu.enqueue_indirect_dma source(%dma_start3A_698 : memref<8192x256xf32, #tpu.memory_space<hbm>>) target(%arg9 : memref<64x256xf32, #tpu.memory_space<vmem>>) offsets(%dma_start3A_695 : memref<64xi32, #tpu.memory_space<vmem>>) semaphore(%arg12 : memref<!tpu.dma_semaphore, #tpu.memory_space<semaphore_mem>>)
      %mul3A_699 = arith.constant 4 : i32
      %mul3A_700 = arith.muli %mul3A_699, %scan3A_435 : i32
      %add3A_701 = arith.constant 2 : i32
      %add3A_702 = arith.addi %mul3A_700, %add3A_701 : i32
      %add3A_703 = arith.constant 2 : i32
      %add3A_704 = arith.addi %add3A_702, %add3A_703 : i32
      %dma_wait3A_705 = arith.constant 0 : i32
      %dma_wait3A_706 = tpu.memref_slice %arg6[%add3A_704, %dma_wait3A_705] : memref<64x64xi32, #tpu.memory_space<vmem>> -> memref<1x64xi32, #tpu.memory_space<vmem>>
      %dma_wait3A_707 = tpu.memref_squeeze %dma_wait3A_706 : memref<1x64xi32, #tpu.memory_space<vmem>> -> memref<64xi32, #tpu.memory_space<vmem>>
      %dma_wait3A_708 = arith.constant 0 : i32
      %dma_wait3A_709 = arith.constant 0 : i32
      %dma_wait3A_710 = tpu.memref_slice %arg3[%dma_wait3A_708, %dma_wait3A_709] : memref<8192x256xf32, #tpu.memory_space<hbm>> -> memref<8192x256xf32, #tpu.memory_space<hbm>>
      tpu.wait_indirect_dma semaphore(%arg12 : memref<!tpu.dma_semaphore, #tpu.memory_space<semaphore_mem>>) src(%dma_wait3A_710 : memref<8192x256xf32, #tpu.memory_space<hbm>>) dst(%arg8 : memref<64x256xf32, #tpu.memory_space<vmem>>)
      %dma_start3A_711 = arith.constant 0 : i32
      %dma_start3A_712 = tpu.memref_slice %arg7[%add3A_704, %dma_start3A_711] : memref<64x64xi32, #tpu.memory_space<vmem>> -> memref<1x64xi32, #tpu.memory_space<vmem>>
      %dma_start3A_713 = tpu.memref_squeeze %dma_start3A_712 : memref<1x64xi32, #tpu.memory_space<vmem>> -> memref<64xi32, #tpu.memory_space<vmem>>
      %dma_start3A_714 = arith.constant 0 : i32
      %dma_start3A_715 = arith.constant 0 : i32
      %dma_start3A_716 = tpu.memref_slice %arg4[%dma_start3A_714, %dma_start3A_715] : memref<131072x256xf32, #tpu.memory_space<hbm>> -> memref<131072x256xf32, #tpu.memory_space<hbm>>
      tpu.enqueue_indirect_dma source(%arg8 : memref<64x256xf32, #tpu.memory_space<vmem>>) target(%dma_start3A_716 : memref<131072x256xf32, #tpu.memory_space<hbm>>) offsets(%dma_start3A_713 : memref<64xi32, #tpu.memory_space<vmem>>) semaphore(%arg13 : memref<!tpu.dma_semaphore, #tpu.memory_space<semaphore_mem>>)
      %sub3A_717 = arith.constant 2 : i32
      %sub3A_718 = arith.subi %add3A_704, %sub3A_717 : i32
      %dma_wait3A_719 = arith.constant 0 : i32
      %dma_wait3A_720 = tpu.memref_slice %arg7[%sub3A_718, %dma_wait3A_719] : memref<64x64xi32, #tpu.memory_space<vmem>> -> memref<1x64xi32, #tpu.memory_space<vmem>>
      %dma_wait3A_721 = tpu.memref_squeeze %dma_wait3A_720 : memref<1x64xi32, #tpu.memory_space<vmem>> -> memref<64xi32, #tpu.memory_space<vmem>>
      %dma_wait3A_722 = arith.constant 0 : i32
      %dma_wait3A_723 = arith.constant 0 : i32
      %dma_wait3A_724 = tpu.memref_slice %arg4[%dma_wait3A_722, %dma_wait3A_723] : memref<131072x256xf32, #tpu.memory_space<hbm>> -> memref<131072x256xf32, #tpu.memory_space<hbm>>
      tpu.wait_indirect_dma semaphore(%arg13 : memref<!tpu.dma_semaphore, #tpu.memory_space<semaphore_mem>>) src(%arg10 : memref<64x256xf32, #tpu.memory_space<vmem>>) dst(%dma_wait3A_724 : memref<131072x256xf32, #tpu.memory_space<hbm>>)
      %add3A_725 = arith.constant 2 : i32
      %add3A_726 = arith.addi %add3A_704, %add3A_725 : i32
      %mul3A_727 = arith.constant 4 : i32
      %mul3A_728 = arith.muli %add3A_726, %mul3A_727 : i32
      %add3A_729 = arith.constant 0 : i32
      %add3A_730 = arith.addi %mul3A_728, %add3A_729 : i32
      %mul3A_731 = arith.constant 16 : i32
      %mul3A_732 = arith.muli %add3A_730, %mul3A_731 : i32
      %get3A_733 = arith.index_cast %mul3A_732 : i32 to index
      %get3A_734 = tpu.vector_load %arg5[%get3A_733] {strides = array<i32>} : memref<4096xi32, #tpu.memory_space<vmem>>, vector<16xi32>,
      %get3A_735 = vector.shape_cast %get3A_734 : vector<16xi32> to vector<16xi32>
      %add3A_736 = arith.addi %get3A_735, %mul3A_9 : vector<16xi32>
      %swap3A_737 = arith.index_cast %add3A_726 : i32 to index
      %swap3A_738 = arith.constant 0 : index
      %swap3A_739 = tpu.vector_load %arg6[%swap3A_737, %swap3A_738] {strides = array<i32>} : memref<64x64xi32, #tpu.memory_space<vmem>>, vector<1x16xi32>,
      %swap3A_740 = vector.shape_cast %swap3A_739 : vector<1x16xi32> to vector<16xi32>
      %swap3A_741 = vector.shape_cast %add3A_736 : vector<16xi32> to vector<1x16xi32>
      tpu.vector_store %arg6[%swap3A_737, %swap3A_738], %swap3A_741 {strides = array<i32>} : memref<64x64xi32, #tpu.memory_space<vmem>>, vector<1x16xi32>,
      %mul3A_742 = arith.constant 2 : i32
      %mul3A_743 = arith.muli %add3A_730, %mul3A_742 : i32
      %add3A_744 = vector.broadcast %mul3A_743 : i32 to vector<16xi32>
      %add3A_745 = arith.addi %add3A_17, %add3A_744 : vector<16xi32>
      %swap3A_746 = arith.index_cast %add3A_726 : i32 to index
      %swap3A_747 = arith.constant 0 : index
      %swap3A_748 = tpu.vector_load %arg7[%swap3A_746, %swap3A_747] {strides = array<i32>} : memref<64x64xi32, #tpu.memory_space<vmem>>, vector<1x16xi32>,
      %swap3A_749 = vector.shape_cast %swap3A_748 : vector<1x16xi32> to vector<16xi32>
      %swap3A_750 = vector.shape_cast %add3A_745 : vector<16xi32> to vector<1x16xi32>
      tpu.vector_store %arg7[%swap3A_746, %swap3A_747], %swap3A_750 {strides = array<i32>} : memref<64x64xi32, #tpu.memory_space<vmem>>, vector<1x16xi32>,
      %mul3A_751 = arith.constant 4 : i32
      %mul3A_752 = arith.muli %add3A_726, %mul3A_751 : i32
      %add3A_753 = arith.constant 1 : i32
      %add3A_754 = arith.addi %mul3A_752, %add3A_753 : i32
      %mul3A_755 = arith.constant 16 : i32
      %mul3A_756 = arith.muli %add3A_754, %mul3A_755 : i32
      %get3A_757 = arith.index_cast %mul3A_756 : i32 to index
      %get3A_758 = tpu.vector_load %arg5[%get3A_757] {strides = array<i32>} : memref<4096xi32, #tpu.memory_space<vmem>>, vector<16xi32>,
      %get3A_759 = vector.shape_cast %get3A_758 : vector<16xi32> to vector<16xi32>
      %add3A_760 = arith.addi %get3A_759, %mul3A_9 : vector<16xi32>
      %swap3A_761 = arith.index_cast %add3A_726 : i32 to index
      %swap3A_762 = arith.constant 16 : index
      %swap3A_763 = tpu.vector_load %arg6[%swap3A_761, %swap3A_762] {strides = array<i32>} : memref<64x64xi32, #tpu.memory_space<vmem>>, vector<1x16xi32>,
      %swap3A_764 = vector.shape_cast %swap3A_763 : vector<1x16xi32> to vector<16xi32>
      %swap3A_765 = vector.shape_cast %add3A_760 : vector<16xi32> to vector<1x16xi32>
      tpu.vector_store %arg6[%swap3A_761, %swap3A_762], %swap3A_765 {strides = array<i32>} : memref<64x64xi32, #tpu.memory_space<vmem>>, vector<1x16xi32>,
      %mul3A_766 = arith.constant 2 : i32
      %mul3A_767 = arith.muli %add3A_754, %mul3A_766 : i32
      %add3A_768 = vector.broadcast %mul3A_767 : i32 to vector<16xi32>
      %add3A_769 = arith.addi %add3A_17, %add3A_768 : vector<16xi32>
      %swap3A_770 = arith.index_cast %add3A_726 : i32 to index
      %swap3A_771 = arith.constant 16 : index
      %swap3A_772 = tpu.vector_load %arg7[%swap3A_770, %swap3A_771] {strides = array<i32>} : memref<64x64xi32, #tpu.memory_space<vmem>>, vector<1x16xi32>,
      %swap3A_773 = vector.shape_cast %swap3A_772 : vector<1x16xi32> to vector<16xi32>
      %swap3A_774 = vector.shape_cast %add3A_769 : vector<16xi32> to vector<1x16xi32>
      tpu.vector_store %arg7[%swap3A_770, %swap3A_771], %swap3A_774 {strides = array<i32>} : memref<64x64xi32, #tpu.memory_space<vmem>>, vector<1x16xi32>,
      %mul3A_775 = arith.constant 4 : i32
      %mul3A_776 = arith.muli %add3A_726, %mul3A_775 : i32
      %add3A_777 = arith.constant 2 : i32
      %add3A_778 = arith.addi %mul3A_776, %add3A_777 : i32
      %mul3A_779 = arith.constant 16 : i32
      %mul3A_780 = arith.muli %add3A_778, %mul3A_779 : i32
      %get3A_781 = arith.index_cast %mul3A_780 : i32 to index
      %get3A_782 = tpu.vector_load %arg5[%get3A_781] {strides = array<i32>} : memref<4096xi32, #tpu.memory_space<vmem>>, vector<16xi32>,
      %get3A_783 = vector.shape_cast %get3A_782 : vector<16xi32> to vector<16xi32>
      %add3A_784 = arith.addi %get3A_783, %mul3A_9 : vector<16xi32>
      %swap3A_785 = arith.index_cast %add3A_726 : i32 to index
      %swap3A_786 = arith.constant 32 : index
      %swap3A_787 = tpu.vector_load %arg6[%swap3A_785, %swap3A_786] {strides = array<i32>} : memref<64x64xi32, #tpu.memory_space<vmem>>, vector<1x16xi32>,
      %swap3A_788 = vector.shape_cast %swap3A_787 : vector<1x16xi32> to vector<16xi32>
      %swap3A_789 = vector.shape_cast %add3A_784 : vector<16xi32> to vector<1x16xi32>
      tpu.vector_store %arg6[%swap3A_785, %swap3A_786], %swap3A_789 {strides = array<i32>} : memref<64x64xi32, #tpu.memory_space<vmem>>, vector<1x16xi32>,
      %mul3A_790 = arith.constant 2 : i32
      %mul3A_791 = arith.muli %add3A_778, %mul3A_790 : i32
      %add3A_792 = vector.broadcast %mul3A_791 : i32 to vector<16xi32>
      %add3A_793 = arith.addi %add3A_17, %add3A_792 : vector<16xi32>
      %swap3A_794 = arith.index_cast %add3A_726 : i32 to index
      %swap3A_795 = arith.constant 32 : index
      %swap3A_796 = tpu.vector_load %arg7[%swap3A_794, %swap3A_795] {strides = array<i32>} : memref<64x64xi32, #tpu.memory_space<vmem>>, vector<1x16xi32>,
      %swap3A_797 = vector.shape_cast %swap3A_796 : vector<1x16xi32> to vector<16xi32>
      %swap3A_798 = vector.shape_cast %add3A_793 : vector<16xi32> to vector<1x16xi32>
      tpu.vector_store %arg7[%swap3A_794, %swap3A_795], %swap3A_798 {strides = array<i32>} : memref<64x64xi32, #tpu.memory_space<vmem>>, vector<1x16xi32>,
      %mul3A_799 = arith.constant 4 : i32
      %mul3A_800 = arith.muli %add3A_726, %mul3A_799 : i32
      %add3A_801 = arith.constant 3 : i32
      %add3A_802 = arith.addi %mul3A_800, %add3A_801 : i32
      %mul3A_803 = arith.constant 16 : i32
      %mul3A_804 = arith.muli %add3A_802, %mul3A_803 : i32
      %get3A_805 = arith.index_cast %mul3A_804 : i32 to index
      %get3A_806 = tpu.vector_load %arg5[%get3A_805] {strides = array<i32>} : memref<4096xi32, #tpu.memory_space<vmem>>, vector<16xi32>,
      %get3A_807 = vector.shape_cast %get3A_806 : vector<16xi32> to vector<16xi32>
      %add3A_808 = arith.addi %get3A_807, %mul3A_9 : vector<16xi32>
      %swap3A_809 = arith.index_cast %add3A_726 : i32 to index
      %swap3A_810 = arith.constant 48 : index
      %swap3A_811 = tpu.vector_load %arg6[%swap3A_809, %swap3A_810] {strides = array<i32>} : memref<64x64xi32, #tpu.memory_space<vmem>>, vector<1x16xi32>,
      %swap3A_812 = vector.shape_cast %swap3A_811 : vector<1x16xi32> to vector<16xi32>
      %swap3A_813 = vector.shape_cast %add3A_808 : vector<16xi32> to vector<1x16xi32>
      tpu.vector_store %arg6[%swap3A_809, %swap3A_810], %swap3A_813 {strides = array<i32>} : memref<64x64xi32, #tpu.memory_space<vmem>>, vector<1x16xi32>,
      %mul3A_814 = arith.constant 2 : i32
      %mul3A_815 = arith.muli %add3A_802, %mul3A_814 : i32
      %add3A_816 = vector.broadcast %mul3A_815 : i32 to vector<16xi32>
      %add3A_817 = arith.addi %add3A_17, %add3A_816 : vector<16xi32>
      %swap3A_818 = arith.index_cast %add3A_726 : i32 to index
      %swap3A_819 = arith.constant 48 : index
      %swap3A_820 = tpu.vector_load %arg7[%swap3A_818, %swap3A_819] {strides = array<i32>} : memref<64x64xi32, #tpu.memory_space<vmem>>, vector<1x16xi32>,
      %swap3A_821 = vector.shape_cast %swap3A_820 : vector<1x16xi32> to vector<16xi32>
      %swap3A_822 = vector.shape_cast %add3A_817 : vector<16xi32> to vector<1x16xi32>
      tpu.vector_store %arg7[%swap3A_818, %swap3A_819], %swap3A_822 {strides = array<i32>} : memref<64x64xi32, #tpu.memory_space<vmem>>, vector<1x16xi32>,
      %add3A_823 = arith.constant 2 : i32
      %add3A_824 = arith.addi %add3A_704, %add3A_823 : i32
      %dma_start3A_825 = arith.constant 0 : i32
      %dma_start3A_826 = tpu.memref_slice %arg6[%add3A_824, %dma_start3A_825] : memref<64x64xi32, #tpu.memory_space<vmem>> -> memref<1x64xi32, #tpu.memory_space<vmem>>
      %dma_start3A_827 = tpu.memref_squeeze %dma_start3A_826 : memref<1x64xi32, #tpu.memory_space<vmem>> -> memref<64xi32, #tpu.memory_space<vmem>>
      %dma_start3A_828 = arith.constant 0 : i32
      %dma_start3A_829 = arith.constant 0 : i32
      %dma_start3A_830 = tpu.memref_slice %arg3[%dma_start3A_828, %dma_start3A_829] : memref<8192x256xf32, #tpu.memory_space<hbm>> -> memref<8192x256xf32, #tpu.memory_space<hbm>>
      tpu.enqueue_indirect_dma source(%dma_start3A_830 : memref<8192x256xf32, #tpu.memory_space<hbm>>) target(%arg10 : memref<64x256xf32, #tpu.memory_space<vmem>>) offsets(%dma_start3A_827 : memref<64xi32, #tpu.memory_space<vmem>>) semaphore(%arg12 : memref<!tpu.dma_semaphore, #tpu.memory_space<semaphore_mem>>)
      %mul3A_831 = arith.constant 4 : i32
      %mul3A_832 = arith.muli %mul3A_831, %scan3A_435 : i32
      %add3A_833 = arith.constant 2 : i32
      %add3A_834 = arith.addi %mul3A_832, %add3A_833 : i32
      %add3A_835 = arith.constant 3 : i32
      %add3A_836 = arith.addi %add3A_834, %add3A_835 : i32
      %dma_wait3A_837 = arith.constant 0 : i32
      %dma_wait3A_838 = tpu.memref_slice %arg6[%add3A_836, %dma_wait3A_837] : memref<64x64xi32, #tpu.memory_space<vmem>> -> memref<1x64xi32, #tpu.memory_space<vmem>>
      %dma_wait3A_839 = tpu.memref_squeeze %dma_wait3A_838 : memref<1x64xi32, #tpu.memory_space<vmem>> -> memref<64xi32, #tpu.memory_space<vmem>>
      %dma_wait3A_840 = arith.constant 0 : i32
      %dma_wait3A_841 = arith.constant 0 : i32
      %dma_wait3A_842 = tpu.memref_slice %arg3[%dma_wait3A_840, %dma_wait3A_841] : memref<8192x256xf32, #tpu.memory_space<hbm>> -> memref<8192x256xf32, #tpu.memory_space<hbm>>
      tpu.wait_indirect_dma semaphore(%arg12 : memref<!tpu.dma_semaphore, #tpu.memory_space<semaphore_mem>>) src(%dma_wait3A_842 : memref<8192x256xf32, #tpu.memory_space<hbm>>) dst(%arg9 : memref<64x256xf32, #tpu.memory_space<vmem>>)
      %dma_start3A_843 = arith.constant 0 : i32
      %dma_start3A_844 = tpu.memref_slice %arg7[%add3A_836, %dma_start3A_843] : memref<64x64xi32, #tpu.memory_space<vmem>> -> memref<1x64xi32, #tpu.memory_space<vmem>>
      %dma_start3A_845 = tpu.memref_squeeze %dma_start3A_844 : memref<1x64xi32, #tpu.memory_space<vmem>> -> memref<64xi32, #tpu.memory_space<vmem>>
      %dma_start3A_846 = arith.constant 0 : i32
      %dma_start3A_847 = arith.constant 0 : i32
      %dma_start3A_848 = tpu.memref_slice %arg4[%dma_start3A_846, %dma_start3A_847] : memref<131072x256xf32, #tpu.memory_space<hbm>> -> memref<131072x256xf32, #tpu.memory_space<hbm>>
      tpu.enqueue_indirect_dma source(%arg9 : memref<64x256xf32, #tpu.memory_space<vmem>>) target(%dma_start3A_848 : memref<131072x256xf32, #tpu.memory_space<hbm>>) offsets(%dma_start3A_845 : memref<64xi32, #tpu.memory_space<vmem>>) semaphore(%arg13 : memref<!tpu.dma_semaphore, #tpu.memory_space<semaphore_mem>>)
      %sub3A_849 = arith.constant 2 : i32
      %sub3A_850 = arith.subi %add3A_836, %sub3A_849 : i32
      %dma_wait3A_851 = arith.constant 0 : i32
      %dma_wait3A_852 = tpu.memref_slice %arg7[%sub3A_850, %dma_wait3A_851] : memref<64x64xi32, #tpu.memory_space<vmem>> -> memref<1x64xi32, #tpu.memory_space<vmem>>
      %dma_wait3A_853 = tpu.memref_squeeze %dma_wait3A_852 : memref<1x64xi32, #tpu.memory_space<vmem>> -> memref<64xi32, #tpu.memory_space<vmem>>
      %dma_wait3A_854 = arith.constant 0 : i32
      %dma_wait3A_855 = arith.constant 0 : i32
      %dma_wait3A_856 = tpu.memref_slice %arg4[%dma_wait3A_854, %dma_wait3A_855] : memref<131072x256xf32, #tpu.memory_space<hbm>> -> memref<131072x256xf32, #tpu.memory_space<hbm>>
      tpu.wait_indirect_dma semaphore(%arg13 : memref<!tpu.dma_semaphore, #tpu.memory_space<semaphore_mem>>) src(%arg11 : memref<64x256xf32, #tpu.memory_space<vmem>>) dst(%dma_wait3A_856 : memref<131072x256xf32, #tpu.memory_space<hbm>>)
      %add3A_857 = arith.constant 2 : i32
      %add3A_858 = arith.addi %add3A_836, %add3A_857 : i32
      %mul3A_859 = arith.constant 4 : i32
      %mul3A_860 = arith.muli %add3A_858, %mul3A_859 : i32
      %add3A_861 = arith.constant 0 : i32
      %add3A_862 = arith.addi %mul3A_860, %add3A_861 : i32
      %mul3A_863 = arith.constant 16 : i32
      %mul3A_864 = arith.muli %add3A_862, %mul3A_863 : i32
      %get3A_865 = arith.index_cast %mul3A_864 : i32 to index
      %get3A_866 = tpu.vector_load %arg5[%get3A_865] {strides = array<i32>} : memref<4096xi32, #tpu.memory_space<vmem>>, vector<16xi32>,
      %get3A_867 = vector.shape_cast %get3A_866 : vector<16xi32> to vector<16xi32>
      %add3A_868 = arith.addi %get3A_867, %mul3A_9 : vector<16xi32>
      %swap3A_869 = arith.index_cast %add3A_858 : i32 to index
      %swap3A_870 = arith.constant 0 : index
      %swap3A_871 = tpu.vector_load %arg6[%swap3A_869, %swap3A_870] {strides = array<i32>} : memref<64x64xi32, #tpu.memory_space<vmem>>, vector<1x16xi32>,
      %swap3A_872 = vector.shape_cast %swap3A_871 : vector<1x16xi32> to vector<16xi32>
      %swap3A_873 = vector.shape_cast %add3A_868 : vector<16xi32> to vector<1x16xi32>
      tpu.vector_store %arg6[%swap3A_869, %swap3A_870], %swap3A_873 {strides = array<i32>} : memref<64x64xi32, #tpu.memory_space<vmem>>, vector<1x16xi32>,
      %mul3A_874 = arith.constant 2 : i32
      %mul3A_875 = arith.muli %add3A_862, %mul3A_874 : i32
      %add3A_876 = vector.broadcast %mul3A_875 : i32 to vector<16xi32>
      %add3A_877 = arith.addi %add3A_17, %add3A_876 : vector<16xi32>
      %swap3A_878 = arith.index_cast %add3A_858 : i32 to index
      %swap3A_879 = arith.constant 0 : index
      %swap3A_880 = tpu.vector_load %arg7[%swap3A_878, %swap3A_879] {strides = array<i32>} : memref<64x64xi32, #tpu.memory_space<vmem>>, vector<1x16xi32>,
      %swap3A_881 = vector.shape_cast %swap3A_880 : vector<1x16xi32> to vector<16xi32>
      %swap3A_882 = vector.shape_cast %add3A_877 : vector<16xi32> to vector<1x16xi32>
      tpu.vector_store %arg7[%swap3A_878, %swap3A_879], %swap3A_882 {strides = array<i32>} : memref<64x64xi32, #tpu.memory_space<vmem>>, vector<1x16xi32>,
      %mul3A_883 = arith.constant 4 : i32
      %mul3A_884 = arith.muli %add3A_858, %mul3A_883 : i32
      %add3A_885 = arith.constant 1 : i32
      %add3A_886 = arith.addi %mul3A_884, %add3A_885 : i32
      %mul3A_887 = arith.constant 16 : i32
      %mul3A_888 = arith.muli %add3A_886, %mul3A_887 : i32
      %get3A_889 = arith.index_cast %mul3A_888 : i32 to index
      %get3A_890 = tpu.vector_load %arg5[%get3A_889] {strides = array<i32>} : memref<4096xi32, #tpu.memory_space<vmem>>, vector<16xi32>,
      %get3A_891 = vector.shape_cast %get3A_890 : vector<16xi32> to vector<16xi32>
      %add3A_892 = arith.addi %get3A_891, %mul3A_9 : vector<16xi32>
      %swap3A_893 = arith.index_cast %add3A_858 : i32 to index
      %swap3A_894 = arith.constant 16 : index
      %swap3A_895 = tpu.vector_load %arg6[%swap3A_893, %swap3A_894] {strides = array<i32>} : memref<64x64xi32, #tpu.memory_space<vmem>>, vector<1x16xi32>,
      %swap3A_896 = vector.shape_cast %swap3A_895 : vector<1x16xi32> to vector<16xi32>
      %swap3A_897 = vector.shape_cast %add3A_892 : vector<16xi32> to vector<1x16xi32>
      tpu.vector_store %arg6[%swap3A_893, %swap3A_894], %swap3A_897 {strides = array<i32>} : memref<64x64xi32, #tpu.memory_space<vmem>>, vector<1x16xi32>,
      %mul3A_898 = arith.constant 2 : i32
      %mul3A_899 = arith.muli %add3A_886, %mul3A_898 : i32
      %add3A_900 = vector.broadcast %mul3A_899 : i32 to vector<16xi32>
      %add3A_901 = arith.addi %add3A_17, %add3A_900 : vector<16xi32>
      %swap3A_902 = arith.index_cast %add3A_858 : i32 to index
      %swap3A_903 = arith.constant 16 : index
      %swap3A_904 = tpu.vector_load %arg7[%swap3A_902, %swap3A_903] {strides = array<i32>} : memref<64x64xi32, #tpu.memory_space<vmem>>, vector<1x16xi32>,
      %swap3A_905 = vector.shape_cast %swap3A_904 : vector<1x16xi32> to vector<16xi32>
      %swap3A_906 = vector.shape_cast %add3A_901 : vector<16xi32> to vector<1x16xi32>
      tpu.vector_store %arg7[%swap3A_902, %swap3A_903], %swap3A_906 {strides = array<i32>} : memref<64x64xi32, #tpu.memory_space<vmem>>, vector<1x16xi32>,
      %mul3A_907 = arith.constant 4 : i32
      %mul3A_908 = arith.muli %add3A_858, %mul3A_907 : i32
      %add3A_909 = arith.constant 2 : i32
      %add3A_910 = arith.addi %mul3A_908, %add3A_909 : i32
      %mul3A_911 = arith.constant 16 : i32
      %mul3A_912 = arith.muli %add3A_910, %mul3A_911 : i32
      %get3A_913 = arith.index_cast %mul3A_912 : i32 to index
      %get3A_914 = tpu.vector_load %arg5[%get3A_913] {strides = array<i32>} : memref<4096xi32, #tpu.memory_space<vmem>>, vector<16xi32>,
      %get3A_915 = vector.shape_cast %get3A_914 : vector<16xi32> to vector<16xi32>
      %add3A_916 = arith.addi %get3A_915, %mul3A_9 : vector<16xi32>
      %swap3A_917 = arith.index_cast %add3A_858 : i32 to index
      %swap3A_918 = arith.constant 32 : index
      %swap3A_919 = tpu.vector_load %arg6[%swap3A_917, %swap3A_918] {strides = array<i32>} : memref<64x64xi32, #tpu.memory_space<vmem>>, vector<1x16xi32>,
      %swap3A_920 = vector.shape_cast %swap3A_919 : vector<1x16xi32> to vector<16xi32>
      %swap3A_921 = vector.shape_cast %add3A_916 : vector<16xi32> to vector<1x16xi32>
      tpu.vector_store %arg6[%swap3A_917, %swap3A_918], %swap3A_921 {strides = array<i32>} : memref<64x64xi32, #tpu.memory_space<vmem>>, vector<1x16xi32>,
      %mul3A_922 = arith.constant 2 : i32
      %mul3A_923 = arith.muli %add3A_910, %mul3A_922 : i32
      %add3A_924 = vector.broadcast %mul3A_923 : i32 to vector<16xi32>
      %add3A_925 = arith.addi %add3A_17, %add3A_924 : vector<16xi32>
      %swap3A_926 = arith.index_cast %add3A_858 : i32 to index
      %swap3A_927 = arith.constant 32 : index
      %swap3A_928 = tpu.vector_load %arg7[%swap3A_926, %swap3A_927] {strides = array<i32>} : memref<64x64xi32, #tpu.memory_space<vmem>>, vector<1x16xi32>,
      %swap3A_929 = vector.shape_cast %swap3A_928 : vector<1x16xi32> to vector<16xi32>
      %swap3A_930 = vector.shape_cast %add3A_925 : vector<16xi32> to vector<1x16xi32>
      tpu.vector_store %arg7[%swap3A_926, %swap3A_927], %swap3A_930 {strides = array<i32>} : memref<64x64xi32, #tpu.memory_space<vmem>>, vector<1x16xi32>,
      %mul3A_931 = arith.constant 4 : i32
      %mul3A_932 = arith.muli %add3A_858, %mul3A_931 : i32
      %add3A_933 = arith.constant 3 : i32
      %add3A_934 = arith.addi %mul3A_932, %add3A_933 : i32
      %mul3A_935 = arith.constant 16 : i32
      %mul3A_936 = arith.muli %add3A_934, %mul3A_935 : i32
      %get3A_937 = arith.index_cast %mul3A_936 : i32 to index
      %get3A_938 = tpu.vector_load %arg5[%get3A_937] {strides = array<i32>} : memref<4096xi32, #tpu.memory_space<vmem>>, vector<16xi32>,
      %get3A_939 = vector.shape_cast %get3A_938 : vector<16xi32> to vector<16xi32>
      %add3A_940 = arith.addi %get3A_939, %mul3A_9 : vector<16xi32>
      %swap3A_941 = arith.index_cast %add3A_858 : i32 to index
      %swap3A_942 = arith.constant 48 : index
      %swap3A_943 = tpu.vector_load %arg6[%swap3A_941, %swap3A_942] {strides = array<i32>} : memref<64x64xi32, #tpu.memory_space<vmem>>, vector<1x16xi32>,
      %swap3A_944 = vector.shape_cast %swap3A_943 : vector<1x16xi32> to vector<16xi32>
      %swap3A_945 = vector.shape_cast %add3A_940 : vector<16xi32> to vector<1x16xi32>
      tpu.vector_store %arg6[%swap3A_941, %swap3A_942], %swap3A_945 {strides = array<i32>} : memref<64x64xi32, #tpu.memory_space<vmem>>, vector<1x16xi32>,
      %mul3A_946 = arith.constant 2 : i32
      %mul3A_947 = arith.muli %add3A_934, %mul3A_946 : i32
      %add3A_948 = vector.broadcast %mul3A_947 : i32 to vector<16xi32>
      %add3A_949 = arith.addi %add3A_17, %add3A_948 : vector<16xi32>
      %swap3A_950 = arith.index_cast %add3A_858 : i32 to index
      %swap3A_951 = arith.constant 48 : index
      %swap3A_952 = tpu.vector_load %arg7[%swap3A_950, %swap3A_951] {strides = array<i32>} : memref<64x64xi32, #tpu.memory_space<vmem>>, vector<1x16xi32>,
      %swap3A_953 = vector.shape_cast %swap3A_952 : vector<1x16xi32> to vector<16xi32>
      %swap3A_954 = vector.shape_cast %add3A_949 : vector<16xi32> to vector<1x16xi32>
      tpu.vector_store %arg7[%swap3A_950, %swap3A_951], %swap3A_954 {strides = array<i32>} : memref<64x64xi32, #tpu.memory_space<vmem>>, vector<1x16xi32>,
      %add3A_955 = arith.constant 2 : i32
      %add3A_956 = arith.addi %add3A_836, %add3A_955 : i32
      %dma_start3A_957 = arith.constant 0 : i32
      %dma_start3A_958 = tpu.memref_slice %arg6[%add3A_956, %dma_start3A_957] : memref<64x64xi32, #tpu.memory_space<vmem>> -> memref<1x64xi32, #tpu.memory_space<vmem>>
      %dma_start3A_959 = tpu.memref_squeeze %dma_start3A_958 : memref<1x64xi32, #tpu.memory_space<vmem>> -> memref<64xi32, #tpu.memory_space<vmem>>
      %dma_start3A_960 = arith.constant 0 : i32
      %dma_start3A_961 = arith.constant 0 : i32
      %dma_start3A_962 = tpu.memref_slice %arg3[%dma_start3A_960, %dma_start3A_961] : memref<8192x256xf32, #tpu.memory_space<hbm>> -> memref<8192x256xf32, #tpu.memory_space<hbm>>
      tpu.enqueue_indirect_dma source(%dma_start3A_962 : memref<8192x256xf32, #tpu.memory_space<hbm>>) target(%arg11 : memref<64x256xf32, #tpu.memory_space<vmem>>) offsets(%dma_start3A_959 : memref<64xi32, #tpu.memory_space<vmem>>) semaphore(%arg12 : memref<!tpu.dma_semaphore, #tpu.memory_space<semaphore_mem>>)
    }
    %scan3A_378 = arith.constant 15 : i32
    %dma_wait3A_379 = arith.constant 62 : i32
    %dma_wait3A_380 = arith.constant 0 : i32
    %dma_wait3A_381 = tpu.memref_slice %arg6[%dma_wait3A_379, %dma_wait3A_380] : memref<64x64xi32, #tpu.memory_space<vmem>> -> memref<1x64xi32, #tpu.memory_space<vmem>>
    %dma_wait3A_382 = tpu.memref_squeeze %dma_wait3A_381 : memref<1x64xi32, #tpu.memory_space<vmem>> -> memref<64xi32, #tpu.memory_space<vmem>>
    %dma_wait3A_383 = arith.constant 0 : i32
    %dma_wait3A_384 = arith.constant 0 : i32
    %dma_wait3A_385 = tpu.memref_slice %arg3[%dma_wait3A_383, %dma_wait3A_384] : memref<8192x256xf32, #tpu.memory_space<hbm>> -> memref<8192x256xf32, #tpu.memory_space<hbm>>
    tpu.wait_indirect_dma semaphore(%arg12 : memref<!tpu.dma_semaphore, #tpu.memory_space<semaphore_mem>>) src(%dma_wait3A_385 : memref<8192x256xf32, #tpu.memory_space<hbm>>) dst(%arg10 : memref<64x256xf32, #tpu.memory_space<vmem>>)
    %dma_start3A_386 = arith.constant 62 : i32
    %dma_start3A_387 = arith.constant 0 : i32
    %dma_start3A_388 = tpu.memref_slice %arg7[%dma_start3A_386, %dma_start3A_387] : memref<64x64xi32, #tpu.memory_space<vmem>> -> memref<1x64xi32, #tpu.memory_space<vmem>>
    %dma_start3A_389 = tpu.memref_squeeze %dma_start3A_388 : memref<1x64xi32, #tpu.memory_space<vmem>> -> memref<64xi32, #tpu.memory_space<vmem>>
    %dma_start3A_390 = arith.constant 0 : i32
    %dma_start3A_391 = arith.constant 0 : i32
    %dma_start3A_392 = tpu.memref_slice %arg4[%dma_start3A_390, %dma_start3A_391] : memref<131072x256xf32, #tpu.memory_space<hbm>> -> memref<131072x256xf32, #tpu.memory_space<hbm>>
    tpu.enqueue_indirect_dma source(%arg10 : memref<64x256xf32, #tpu.memory_space<vmem>>) target(%dma_start3A_392 : memref<131072x256xf32, #tpu.memory_space<hbm>>) offsets(%dma_start3A_389 : memref<64xi32, #tpu.memory_space<vmem>>) semaphore(%arg13 : memref<!tpu.dma_semaphore, #tpu.memory_space<semaphore_mem>>)
    %dma_wait3A_393 = arith.constant 63 : i32
    %dma_wait3A_394 = arith.constant 0 : i32
    %dma_wait3A_395 = tpu.memref_slice %arg6[%dma_wait3A_393, %dma_wait3A_394] : memref<64x64xi32, #tpu.memory_space<vmem>> -> memref<1x64xi32, #tpu.memory_space<vmem>>
    %dma_wait3A_396 = tpu.memref_squeeze %dma_wait3A_395 : memref<1x64xi32, #tpu.memory_space<vmem>> -> memref<64xi32, #tpu.memory_space<vmem>>
    %dma_wait3A_397 = arith.constant 0 : i32
    %dma_wait3A_398 = arith.constant 0 : i32
    %dma_wait3A_399 = tpu.memref_slice %arg3[%dma_wait3A_397, %dma_wait3A_398] : memref<8192x256xf32, #tpu.memory_space<hbm>> -> memref<8192x256xf32, #tpu.memory_space<hbm>>
    tpu.wait_indirect_dma semaphore(%arg12 : memref<!tpu.dma_semaphore, #tpu.memory_space<semaphore_mem>>) src(%dma_wait3A_399 : memref<8192x256xf32, #tpu.memory_space<hbm>>) dst(%arg11 : memref<64x256xf32, #tpu.memory_space<vmem>>)
    %dma_start3A_400 = arith.constant 63 : i32
    %dma_start3A_401 = arith.constant 0 : i32
    %dma_start3A_402 = tpu.memref_slice %arg7[%dma_start3A_400, %dma_start3A_401] : memref<64x64xi32, #tpu.memory_space<vmem>> -> memref<1x64xi32, #tpu.memory_space<vmem>>
    %dma_start3A_403 = tpu.memref_squeeze %dma_start3A_402 : memref<1x64xi32, #tpu.memory_space<vmem>> -> memref<64xi32, #tpu.memory_space<vmem>>
    %dma_start3A_404 = arith.constant 0 : i32
    %dma_start3A_405 = arith.constant 0 : i32
    %dma_start3A_406 = tpu.memref_slice %arg4[%dma_start3A_404, %dma_start3A_405] : memref<131072x256xf32, #tpu.memory_space<hbm>> -> memref<131072x256xf32, #tpu.memory_space<hbm>>
    tpu.enqueue_indirect_dma source(%arg11 : memref<64x256xf32, #tpu.memory_space<vmem>>) target(%dma_start3A_406 : memref<131072x256xf32, #tpu.memory_space<hbm>>) offsets(%dma_start3A_403 : memref<64xi32, #tpu.memory_space<vmem>>) semaphore(%arg13 : memref<!tpu.dma_semaphore, #tpu.memory_space<semaphore_mem>>)
    %dma_wait3A_407 = arith.constant 60 : i32
    %dma_wait3A_408 = arith.constant 0 : i32
    %dma_wait3A_409 = tpu.memref_slice %arg7[%dma_wait3A_407, %dma_wait3A_408] : memref<64x64xi32, #tpu.memory_space<vmem>> -> memref<1x64xi32, #tpu.memory_space<vmem>>
    %dma_wait3A_410 = tpu.memref_squeeze %dma_wait3A_409 : memref<1x64xi32, #tpu.memory_space<vmem>> -> memref<64xi32, #tpu.memory_space<vmem>>
    %dma_wait3A_411 = arith.constant 0 : i32
    %dma_wait3A_412 = arith.constant 0 : i32
    %dma_wait3A_413 = tpu.memref_slice %arg4[%dma_wait3A_411, %dma_wait3A_412] : memref<131072x256xf32, #tpu.memory_space<hbm>> -> memref<131072x256xf32, #tpu.memory_space<hbm>>
    tpu.wait_indirect_dma semaphore(%arg13 : memref<!tpu.dma_semaphore, #tpu.memory_space<semaphore_mem>>) src(%arg8 : memref<64x256xf32, #tpu.memory_space<vmem>>) dst(%dma_wait3A_413 : memref<131072x256xf32, #tpu.memory_space<hbm>>)
    %dma_wait3A_414 = arith.constant 61 : i32
    %dma_wait3A_415 = arith.constant 0 : i32
    %dma_wait3A_416 = tpu.memref_slice %arg7[%dma_wait3A_414, %dma_wait3A_415] : memref<64x64xi32, #tpu.memory_space<vmem>> -> memref<1x64xi32, #tpu.memory_space<vmem>>
    %dma_wait3A_417 = tpu.memref_squeeze %dma_wait3A_416 : memref<1x64xi32, #tpu.memory_space<vmem>> -> memref<64xi32, #tpu.memory_space<vmem>>
    %dma_wait3A_418 = arith.constant 0 : i32
    %dma_wait3A_419 = arith.constant 0 : i32
    %dma_wait3A_420 = tpu.memref_slice %arg4[%dma_wait3A_418, %dma_wait3A_419] : memref<131072x256xf32, #tpu.memory_space<hbm>> -> memref<131072x256xf32, #tpu.memory_space<hbm>>
    tpu.wait_indirect_dma semaphore(%arg13 : memref<!tpu.dma_semaphore, #tpu.memory_space<semaphore_mem>>) src(%arg9 : memref<64x256xf32, #tpu.memory_space<vmem>>) dst(%dma_wait3A_420 : memref<131072x256xf32, #tpu.memory_space<hbm>>)
    %dma_wait3A_421 = arith.constant 62 : i32
    %dma_wait3A_422 = arith.constant 0 : i32
    %dma_wait3A_423 = tpu.memref_slice %arg7[%dma_wait3A_421, %dma_wait3A_422] : memref<64x64xi32, #tpu.memory_space<vmem>> -> memref<1x64xi32, #tpu.memory_space<vmem>>
    %dma_wait3A_424 = tpu.memref_squeeze %dma_wait3A_423 : memref<1x64xi32, #tpu.memory_space<vmem>> -> memref<64xi32, #tpu.memory_space<vmem>>
    %dma_wait3A_425 = arith.constant 0 : i32
    %dma_wait3A_426 = arith.constant 0 : i32
    %dma_wait3A_427 = tpu.memref_slice %arg4[%dma_wait3A_425, %dma_wait3A_426] : memref<131072x256xf32, #tpu.memory_space<hbm>> -> memref<131072x256xf32, #tpu.memory_space<hbm>>
    tpu.wait_indirect_dma semaphore(%arg13 : memref<!tpu.dma_semaphore, #tpu.memory_space<semaphore_mem>>) src(%arg10 : memref<64x256xf32, #tpu.memory_space<vmem>>) dst(%dma_wait3A_427 : memref<131072x256xf32, #tpu.memory_space<hbm>>)
    %dma_wait3A_428 = arith.constant 63 : i32
    %dma_wait3A_429 = arith.constant 0 : i32
    %dma_wait3A_430 = tpu.memref_slice %arg7[%dma_wait3A_428, %dma_wait3A_429] : memref<64x64xi32, #tpu.memory_space<vmem>> -> memref<1x64xi32, #tpu.memory_space<vmem>>
    %dma_wait3A_431 = tpu.memref_squeeze %dma_wait3A_430 : memref<1x64xi32, #tpu.memory_space<vmem>> -> memref<64xi32, #tpu.memory_space<vmem>>
    %dma_wait3A_432 = arith.constant 0 : i32
    %dma_wait3A_433 = arith.constant 0 : i32
    %dma_wait3A_434 = tpu.memref_slice %arg4[%dma_wait3A_432, %dma_wait3A_433] : memref<131072x256xf32, #tpu.memory_space<hbm>> -> memref<131072x256xf32, #tpu.memory_space<hbm>>
    tpu.wait_indirect_dma semaphore(%arg13 : memref<!tpu.dma_semaphore, #tpu.memory_space<semaphore_mem>>) src(%arg11 : memref<64x256xf32, #tpu.memory_space<vmem>>) dst(%dma_wait3A_434 : memref<131072x256xf32, #tpu.memory_space<hbm>>)
    return
  }
}

</mosaic_0001>

<sc_bundles>
// kernel: kernel.3.cloned.1.call-start
scs
__scs_entry_jumppad:
0x0: {  	(pc) =	sbr.rel $0x88, $3  }
0x1: {  	(tag) =	ssettag $0x0;
	lr =	simm.s32 $0x1  }
0x2: {  	[smem:$0x3F9F] =	sst lr;
	_ =	strace $0xD0000000  }
0x3: {  	_ = 	snop  }
0x4: {  	_ = 	snop  }
0x5: {  	_ = 	snop  }
0x6: {  	_ = 	snop  }
0x7: {  	_ = 	snop  }
__scs_overlays_trampoline_lowered:
0x8: {  	[smem:$0x3FAE] =	sst s0  }
0x9: {  	[smem:$0x3FAF] =	sst s1  }
0xa: {  	[smem:$0x3FB0] =	sst s2  }
0xb: {  	[smem:$0x3FB1] =	sst s3  }
0xc: {  	[smem:$0x3FB2] =	sst s4  }
0xd: {  	[smem:$0x3FB3] =	sst s5  }
0xe: {  	[smem:$0x3FB4] =	sst s6  }
0xf: {  	[smem:$0x3FB5] =	sst s7  }
0x10: {  	[smem:$0x3FB6] =	sst s8  }
0x11: {  	[smem:$0x3FB7] =	sst s9;
	s0 =	simm.s32 @!p0 $0x0  }
0x12: {  	s1 =	sld [smem:$0x3F9D];
	s0 =	simm.s32 @p0 $0x1  }
0x13: {  	[smem:$0x3FB8] =	sst s0;
	s0 =	simm.s32 @!p1 $0x0  }
0x14: {  	s2 =	sld [smem:$0x3F9C];
	s0 =	simm.s32 @p1 $0x1  }
0x15: {  	[smem:$0x3FB9] =	sst s0;
	s0 =	simm.s32 @!p2 $0x0  }
0x16: {  	s3 =	sld [smem:$0x3FDB];
	s0 =	simm.s32 @p2 $0x1  }
0x17: {  	s4 =	simm.s32 $0x1BF5;
	[smem:$0x3FBB] =	sst s0  }
0x18: {  	s0 =	sld [smem:$0x3F9E];
	_ =	swait.ge [sflag:s4], $0x0  }
0x19: {  	s7 =	sld [smem:$0x3F9F]  }
0x1a: {  	s8 =	sadd.s32 $0xFFFFE003, lr  }
0x1b: {  	s9 =	sadd.s32 $0xFFFFFEF7, lr;
	s5 =	simm.s32 $0xFFFFFFFF;
	p2 =	slt.u32 s8, $0xFFFFF086  }
0x1c: {  	p1 =	slt.u32 s9, $0xF7A;
	s5 =	simm.s32 @!p2 $0x0  }
0x1d: {  	s5 =	simm.s32 @p1 $0x1;
	p0 =	seq.s32 s7, s2  }
0x1e: {  	s7 =	smul.u32 @!p0 $0xF7A, s2;
	p2 =	seq.s32 @!p0 s5, $0x0  }
0x1f: {  	s9 =	smul.u32 $0xF7A, s1;
	s8 =	simm.s32 @!p0 $0x1BF5;
	p2 =	por !p2, p0  }
0x20: {  	[sflag:s8] =	ssyncset.s32 @!p0 $0xFFFFF086;
	s6 =	sadd.s32 @!p0 s3, s7;
	s7 =	simm.s32 @!p0 $0x108  }
0x21: {  	s3 =	sadd.s32 s3, s9;
	s6 =	sadd.s32 @!p0 $0x88, s6;
	s7 =	simm.s32 @p2 $0x1082  }
0x22: {  	[simem:s7], [sflag:s8] =	dma.local @!p0 [hbm:s6], $0xF7A  }
0x23: {  	s9 =	sor.u32 $0xD0000000, s2;
	s6 =	simm.s32 $0x108;
	_ =	swait.ge @!p0 [sflag:s8], $0x0  }
0x24: {  	s3 =	sadd.s32 $0x88, s3;
	s6 =	simm.s32 @!p1 $0x1082;
	[sflag:s4] =	ssyncset.s32 $0xFFFFF086  }
0x25: {  	[simem:s6], [sflag:s4] =	dma.local [hbm:s3], $0xF7A  }
0x26: {  	[smem:$0x3F9F] =	sst s1;
	(tag) =	ssettag s2;
	_ =	strace s9  }
0x27: {  	s1 =	sld [smem:$0x3FAF]  }
0x28: {  	s2 =	sld [smem:$0x3FB0]  }
0x29: {  	s4 =	sld [smem:$0x3FB2]  }
0x2a: {  	p0 =	seq.s32 s5, $0x0;
	s5 =	sld [smem:$0x3FB3]  }
0x2b: {  	s6 =	sld [smem:$0x3FB4]  }
0x2c: {  	s7 =	sld [smem:$0x3FB5]  }
0x2d: {  	s3 =	simm.s32 $0x108;
	s8 =	sld [smem:$0x3FB6]  }
0x2e: {  	s3 =	simm.s32 @!p0 $0x1082;
	s9 =	sld [smem:$0x3FB7]  }
0x2f: {  	lr =	sadd.s32 s0, s3;
	s0 =	sld [smem:$0x3FAE]  }
0x30: {  	s3 =	sld [smem:$0x3FB1]  }
0x31: {  	[smem:$0x3FBA] =	sst s10  }
0x32: {  	s10 =	sld [smem:$0x3FB8];
	_ =	sdelay $0x3  }
0x33: {  	p0 =	seq.s32 s10, $0x1;
	s10 =	sld [smem:$0x3FBA];
	_ =	sdelay $0x3  }
0x34: {  	[smem:$0x3FBA] =	sst s10  }
0x35: {  	s10 =	sld [smem:$0x3FB9];
	_ =	sdelay $0x3  }
0x36: {  	p1 =	seq.s32 s10, $0x1;
	s10 =	sld [smem:$0x3FBA];
	_ =	sdelay $0x3  }
0x37: {  	[smem:$0x3FBA] =	sst s10  }
0x38: {  	s10 =	sld [smem:$0x3FBB]  }
0x39: {  	_ = 	snop;
	(pc) =	sbr.ind lr, $3  }
0x3a: {  	_ = 	snop  }
0x3b: {  	_ = 	snop  }
0x3c: {  	p2 =	seq.s32 s10, $0x1;
	s10 =	sld [smem:$0x3FBA]  }
0x3d: {  	_ =	shalt  }
0x3e: {  	_ =	shalt  }
0x3f: {  	_ =	shalt  }
0x40: {  	_ =	shalt  }
0x41: {  	_ =	shalt  }
0x42: {  	_ =	shalt  }
0x43: {  	_ =	shalt  }
0x44: {  	_ =	shalt  }
0x45: {  	_ =	shalt  }
0x46: {  	_ =	shalt  }
0x47: {  	_ =	shalt  }
0x48: {  	_ =	shalt  }
0x49: {  	_ =	shalt  }
0x4a: {  	_ =	shalt  }
0x4b: {  	_ =	shalt  }
0x4c: {  	_ =	shalt  }
0x4d: {  	_ =	shalt  }
0x4e: {  	_ =	shalt  }
0x4f: {  	_ =	shalt  }
0x50: {  	_ =	shalt  }
0x51: {  	_ =	shalt  }
0x52: {  	_ =	shalt  }
0x53: {  	_ =	shalt  }
0x54: {  	_ =	shalt  }
0x55: {  	_ =	shalt  }
0x56: {  	_ =	shalt  }
0x57: {  	_ =	shalt  }
0x58: {  	_ =	shalt  }
0x59: {  	_ =	shalt  }
0x5a: {  	_ =	shalt  }
0x5b: {  	_ =	shalt  }
0x5c: {  	_ =	shalt  }
0x5d: {  	_ =	shalt  }
0x5e: {  	_ =	shalt  }
0x5f: {  	_ =	shalt  }
0x60: {  	_ =	shalt  }
0x61: {  	_ =	shalt  }
0x62: {  	_ =	shalt  }
0x63: {  	_ =	shalt  }
0x64: {  	_ =	shalt  }
0x65: {  	_ =	shalt  }
0x66: {  	_ =	shalt  }
0x67: {  	_ =	shalt  }
0x68: {  	_ =	shalt  }
0x69: {  	_ =	shalt  }
0x6a: {  	_ =	shalt  }
0x6b: {  	_ =	shalt  }
0x6c: {  	_ =	shalt  }
0x6d: {  	_ =	shalt  }
0x6e: {  	_ =	shalt  }
0x6f: {  	_ =	shalt  }
0x70: {  	_ =	shalt  }
0x71: {  	_ =	shalt  }
0x72: {  	_ =	shalt  }
0x73: {  	_ =	shalt  }
0x74: {  	_ =	shalt  }
0x75: {  	_ =	shalt  }
0x76: {  	_ =	shalt  }
0x77: {  	_ =	shalt  }
0x78: {  	_ =	shalt  }
0x79: {  	_ =	shalt  }
0x7a: {  	_ =	shalt  }
0x7b: {  	_ =	shalt  }
0x7c: {  	_ =	shalt  }
0x7d: {  	_ =	shalt  }
0x7e: {  	_ =	shalt  }
0x7f: {  	_ =	shalt  }
0x80: {  	_ =	shalt  }
0x81: {  	_ =	shalt  }
0x82: {  	_ =	shalt  }
0x83: {  	_ =	shalt  }
0x84: {  	_ =	shalt  }
0x85: {  	_ =	shalt  }
0x86: {  	_ =	shalt  }
0x87: {  	_ =	shalt  }
.Lfunc_end0:
.L_simem_size_0:
called_computation_lowered:
.L_overlay_start_0:
0x88: {  	s2 =	sld [smem:$0x3FD9]  }
0x89: {  	s3 =	sld [smem:$0x3FFE];
	_ =	sdelay $0x1  }
0x8a: {  	s1 =	srdreg.scid  }
0x8b: {  	s0 =	sand.u32 $0x1, s1  }
0x8c: {  	s17 =	sshll.u32 s0, $0xA;
	s2 =	sadd.s32 s3, s2  }
0x8d: {  	s2 =	sadd.s32 s2, s17  }
0x8e: {  	[smem:$0x3FC6] =	sst s2  }
0x8f: {  	_ = 	snop  }
0x90: {  	s2 =	sld [smem:$0x3FC8]  }
0x91: {  	s18 =	sld [smem:$0x3FD0];
	(tm) =	ssettm $0x1  }
0x92: {  	s4 =	sld [smem:$0x3FFB];
	_ =	sdelay $0x3  }
0x93: {  	_ =	strace s4  }
0x94: {  	s4 =	sld [smem:$0x3FFC];
	_ =	sdelay $0x3  }
0x95: {  	_ =	strace s4  }
0x96: {  	s4 =	sld [smem:$0x3FFD];
	_ =	sdelay $0x3  }
0x97: {  	_ =	strace s4  }
0x98: {  	_ =	strace $0x8FFFFFFF  }
0x99: {  	s19 =	sld [smem:$0x3FDB];
	_ =	sdelay $0x1  }
0x9a: {  	s5 =	simm.s32 $_scs_section_size  }
0x9b: {  	s6 =	simm.s32 $_size__tile_overlayer_lowered;
	s7 =	simm.s32 $_tile_overlayer_lowered  }
0x9c: {  	s22 =	simm.s32 $0x1BFF;
	s21 =	sshll.u32 s7, $0x1;
	s4 =	sadd.s32 s5, s19  }
0x9d: {  	s8 =	simm.s32 $0x0;
	s20 =	sshll.u32 s6, $0x1;
	s6 =	sadd.s32 s21, s4  }
0x9e: {  	[timem:s8], [sflag:s22] =	dma.local [hbm:s6], s20  }
0x9f: {  	_ =	swait.ge [sflag:s22], s20  }
0xa0: {  	s5 =	ssub.s32 $0x0, s20;
	[sflag:s22] =	ssyncset.done $0x0  }
0xa1: {  	[sflag:s22] =	ssyncadd.s32 s5;
	_ =	sdelay $0x1  }
0xa2: {  	s23 =	simm.s32 $0x1B8B  }
0xa3: {  	_ =	swait.ge [sflag:s23], $0x1  }
0xa4: {  	[sflag:s23] =	ssyncset.done $0x0  }
0xa5: {  	s25 =	simm.s32 $0x1B8E;
	s24 =	sld [smem:$0x3FFE];
	[sflag:s23] =	ssyncadd.s32 $0xFFFFFFFF  }
0xa6: {  	s26 =	simm.s32 $execute0_lowered;
	[smem:$0x3FD2] =	sst s25  }
0xa7: {  	s6 =	sshll.u32 s26, $0x1;
	_ =	strace $0x80000046;
	[dreg:$0x1] =	wrdreg $0xFFFFFFFF  }
0xa8: {  	s28 =	simm.s32 $_size_execute0_lowered;
	s4 =	sadd.s32 s4, s6;
	[dreg:$0x0] =	wrdreg $0x0  }
0xa9: {  	s6 =	sshll.u32 s28, $0x1;
	[dreg:$0x2] =	wrdreg s4  }
0xaa: {  	[dreg:$0x3] =	wrdreg s6  }
0xab: {  	[dreg:$0x4] =	wrdreg $0xC0  }
0xac: {  	_ =	task [dreg:s8], $0x5FFFF  }
0xad: {  	[dreg:$0x1] =	wrdreg $0xFFFFFFFF  }
0xae: {  	[dreg:$0x0] =	wrdreg $0x60  }
0xaf: {  	[dreg:$0x2] =	wrdreg s24  }
0xb0: {  	[dreg:$0x3] =	wrdreg s2  }
0xb1: {  	[dreg:$0x4] =	wrdreg s18  }
0xb2: {  	[dreg:$0x5] =	wrdreg $0x9  }
0xb3: {  	_ =	task.clear_ibuf [dreg:s8], $0x6FFFF;
	_ =	strace $0x90000046  }
0xb4: {  	s29 =	simm.s32 $0x9;
	_ =	strace $0x80000048  }
0xb5: {  	_ =	swait.ge [sflag:s29], $0x1  }
0xb6: {  	[sflag:s29] =	ssyncadd.s32 $0xFFFFFFFF  }
0xb7: {  	_ =	strace $0x90000048  }
0xb8: {  	_ =	sfence  }
0xb9: {  	s30 =	sld [smem:$0x0];
	_ =	sdelay $0x2  }
0xba: {  	s31 =	sshll.u32 s1, $0xD;
	s1 =	sshrl.u32 s1, $0x2  }
0xbb: {  	s3 =	sand.u32 $0x4000, s31;
	s1 =	sadd.s32 s1, s30  }
0xbc: {  	s0 =	sor.u32 s3, s0;
	s1 =	sshll.u32 s1, $0x11  }
0xbd: {  	s0 =	sor.u32 s1, s0  }
0xbe: {  	s0 =	sadd.s32 $0x8F2B, s0  }
0xbf: {  	[sflag:s0] =	ssyncadd.remote.s32 $0x1  }
0xc0: {  	_ =	sfence.sel $0xFFFF  }
0xc1: {  	[dreg:$0x0] =	wrdreg $0xFFFFFFFF;
	(pc) =	sbr.abs _section_cstart, $3  }
0xc2: {  	[dreg:$0x1] =	wrdreg $0xFFFFFFFF  }
0xc3: {  	_ =	task.clear_ibuf [dreg:s8], $0x2FFFF;
	_ =	strace $0x9FFFFFFF  }
0xc4: {  	(tm) =	ssettm $0x7FFFFFFF  }
0xc5: {  	_ =	shalt  }
tec
execute0_lowered:
.L_overlay_start_1:
0x0: {  	(tag) =	ssettag $0x1  }
0x1: {  	v0 =	vimm.s32 $0x1C001  }
0x2: {  	vm14 =	vcmask $0x300;
	vm13 =	vcmask $0x704;
	vm12 =	vcmask $0xB08  }
0x3: {  	vm11 =	vcmask $0xF0C;
	vm10 =	vcmask $0x1310;
	vm9 =	vcmask $0x1714  }
0x4: {  	vm8 =	vcmask $0x1B18;
	vm7 =	vcmask $0x1F1C;
	vm6 =	vcmask $0x2320  }
0x5: {  	vm5 =	vcmask $0x2724;
	vm4 =	vcmask $0x2B28;
	vm3 =	vcmask $0x2F2C  }
0x6: {  	vm2 =	vcmask $0x3330;
	vm1 =	vcmask $0x3734;
	vm0 =	vcmask $0x3B38  }
0x7: {  	v1 =	vimm.s32 $0x1C003;
	v2 =	vimm.s32 $0x1C005;
	v3 =	vimm.s32 $0x1C007  }
0x8: {  	v4 =	vimm.s32 $0x1C009;
	v5 =	vimm.s32 $0x1C00B;
	v6 =	vimm.s32 $0x1C00D  }
0x9: {  	v7 =	vimm.s32 $0x1C00F;
	v8 =	vimm.s32 $0x1C011;
	v9 =	vimm.s32 $0x1C013  }
0xa: {  	v10 =	vimm.s32 $0x1C015;
	v11 =	vimm.s32 $0x1C017;
	v12 =	vimm.s32 $0x1C019  }
0xb: {  	v13 =	vimm.s32 $0x1C01B;
	v14 =	vimm.s32 $0x1C01D;
	v15 =	vimm.s32 $0x1C01F  }
0xc: {  	v19 =	vlaneseq.u32;
	v0 =	vsel vm14, $0x0, v0;
	v1 =	vsel vm14, $0x2, v1  }
0xd: {  	v2 =	vsel vm14, $0x4, v2;
	v3 =	vsel vm14, $0x6, v3;
	v4 =	vsel vm14, $0x8, v4  }
0xe: {  	v5 =	vsel vm14, $0xA, v5;
	v6 =	vsel vm14, $0xC, v6;
	v7 =	vsel vm14, $0xE, v7  }
0xf: {  	v8 =	vsel vm14, $0x10, v8;
	v9 =	vsel vm14, $0x12, v9;
	v10 =	vsel vm14, $0x14, v10  }
0x10: {  	v11 =	vsel vm14, $0x16, v11;
	v12 =	vsel vm14, $0x18, v12;
	v13 =	vsel vm14, $0x1A, v13  }
0x11: {  	v14 =	vsel vm14, $0x1C, v14;
	v15 =	vsel vm14, $0x1E, v15;
	v18 =	vshrl.u32 v19, $0x3  }
0x12: {  	v0 =	vsel vm13, $0x4000, v0;
	v1 =	vsel vm13, $0x4002, v1;
	v2 =	vsel vm13, $0x4004, v2  }
0x13: {  	v3 =	vsel vm13, $0x4006, v3;
	v4 =	vsel vm13, $0x4008, v4;
	v5 =	vsel vm13, $0x400A, v5  }
0x14: {  	v6 =	vsel vm13, $0x400C, v6;
	v7 =	vsel vm13, $0x400E, v7;
	v8 =	vsel vm13, $0x4010, v8  }
0x15: {  	v9 =	vsel vm13, $0x4012, v9;
	v10 =	vsel vm13, $0x4014, v10;
	v11 =	vsel vm13, $0x4016, v11  }
0x16: {  	v12 =	vsel vm13, $0x4018, v12;
	v13 =	vsel vm13, $0x401A, v13;
	v14 =	vsel vm13, $0x401C, v14  }
0x17: {  	v15 =	vsel vm13, $0x401E, v15;
	v18 =	vmul.u32 $0x8, v18;
	v0 =	vsel vm12, $0x8000, v0  }
0x18: {  	v1 =	vsel vm12, $0x8002, v1;
	v2 =	vsel vm12, $0x8004, v2;
	v3 =	vsel vm12, $0x8006, v3  }
0x19: {  	v4 =	vsel vm12, $0x8008, v4;
	v5 =	vsel vm12, $0x800A, v5;
	v6 =	vsel vm12, $0x800C, v6  }
0x1a: {  	v7 =	vsel vm12, $0x800E, v7;
	v8 =	vsel vm12, $0x8010, v8;
	v9 =	vsel vm12, $0x8012, v9  }
0x1b: {  	v10 =	vsel vm12, $0x8014, v10;
	v11 =	vsel vm12, $0x8016, v11;
	v12 =	vsel vm12, $0x8018, v12  }
0x1c: {  	v13 =	vsel vm12, $0x801A, v13;
	v14 =	vsel vm12, $0x801C, v14;
	v15 =	vsel vm12, $0x801E, v15  }
0x1d: {  	v0 =	vsel vm11, $0xC000, v0;
	v1 =	vsel vm11, $0xC002, v1;
	v2 =	vsel vm11, $0xC004, v2  }
0x1e: {  	v3 =	vsel vm11, $0xC006, v3;
	v4 =	vsel vm11, $0xC008, v4;
	v5 =	vsel vm11, $0xC00A, v5  }
0x1f: {  	v6 =	vsel vm11, $0xC00C, v6;
	v7 =	vsel vm11, $0xC00E, v7;
	v8 =	vsel vm11, $0xC010, v8  }
0x20: {  	v9 =	vsel vm11, $0xC012, v9;
	v10 =	vsel vm11, $0xC014, v10;
	v11 =	vsel vm11, $0xC016, v11  }
0x21: {  	v12 =	vsel vm11, $0xC018, v12;
	v13 =	vsel vm11, $0xC01A, v13;
	v14 =	vsel vm11, $0xC01C, v14  }
0x22: {  	v15 =	vsel vm11, $0xC01E, v15;
	v0 =	vsel vm10, $0x10000, v0;
	v1 =	vsel vm10, $0x10002, v1  }
0x23: {  	v2 =	vsel vm10, $0x10004, v2;
	v3 =	vsel vm10, $0x10006, v3;
	v4 =	vsel vm10, $0x10008, v4  }
0x24: {  	v5 =	vsel vm10, $0x1000A, v5;
	v6 =	vsel vm10, $0x1000C, v6;
	v7 =	vsel vm10, $0x1000E, v7  }
0x25: {  	v8 =	vsel vm10, $0x10010, v8;
	v9 =	vsel vm10, $0x10012, v9;
	v10 =	vsel vm10, $0x10014, v10  }
0x26: {  	v11 =	vsel vm10, $0x10016, v11;
	v12 =	vsel vm10, $0x10018, v12;
	v13 =	vsel vm10, $0x1001A, v13  }
0x27: {  	v14 =	vsel vm10, $0x1001C, v14;
	v15 =	vsel vm10, $0x1001E, v15;
	v0 =	vsel vm9, $0x14000, v0  }
0x28: {  	v1 =	vsel vm9, $0x14002, v1;
	v2 =	vsel vm9, $0x14004, v2;
	v3 =	vsel vm9, $0x14006, v3  }
0x29: {  	v4 =	vsel vm9, $0x14008, v4;
	v5 =	vsel vm9, $0x1400A, v5;
	v6 =	vsel vm9, $0x1400C, v6  }
0x2a: {  	v7 =	vsel vm9, $0x1400E, v7;
	v8 =	vsel vm9, $0x14010, v8;
	v9 =	vsel vm9, $0x14012, v9  }
0x2b: {  	v10 =	vsel vm9, $0x14014, v10;
	v11 =	vsel vm9, $0x14016, v11;
	v12 =	vsel vm9, $0x14018, v12  }
0x2c: {  	v13 =	vsel vm9, $0x1401A, v13;
	v14 =	vsel vm9, $0x1401C, v14;
	v15 =	vsel vm9, $0x1401E, v15  }
0x2d: {  	v0 =	vsel vm8, $0x18000, v0;
	v1 =	vsel vm8, $0x18002, v1;
	v2 =	vsel vm8, $0x18004, v2  }
0x2e: {  	v3 =	vsel vm8, $0x18006, v3;
	v4 =	vsel vm8, $0x18008, v4;
	v5 =	vsel vm8, $0x1800A, v5  }
0x2f: {  	v6 =	vsel vm8, $0x1800C, v6;
	v7 =	vsel vm8, $0x1800E, v7;
	v8 =	vsel vm8, $0x18010, v8  }
0x30: {  	v9 =	vsel vm8, $0x18012, v9;
	v10 =	vsel vm8, $0x18014, v10;
	v11 =	vsel vm8, $0x18016, v11  }
0x31: {  	v12 =	vsel vm8, $0x18018, v12;
	v13 =	vsel vm8, $0x1801A, v13;
	v14 =	vsel vm8, $0x1801C, v14  }
0x32: {  	v15 =	vsel vm8, $0x1801E, v15;
	v0 =	vsel vm7, $0x1C000, v0;
	v1 =	vsel vm7, $0x1C002, v1  }
0x33: {  	v2 =	vsel vm7, $0x1C004, v2;
	v3 =	vsel vm7, $0x1C006, v3;
	v4 =	vsel vm7, $0x1C008, v4  }
0x34: {  	v5 =	vsel vm7, $0x1C00A, v5;
	v6 =	vsel vm7, $0x1C00C, v6;
	v7 =	vsel vm7, $0x1C00E, v7  }
0x35: {  	v8 =	vsel vm7, $0x1C010, v8;
	v9 =	vsel vm7, $0x1C012, v9;
	v10 =	vsel vm7, $0x1C014, v10  }
0x36: {  	v11 =	vsel vm7, $0x1C016, v11;
	v12 =	vsel vm7, $0x1C018, v12;
	v13 =	vsel vm7, $0x1C01A, v13  }
0x37: {  	v14 =	vsel vm7, $0x1C01C, v14;
	v15 =	vsel vm7, $0x1C01E, v15;
	v0 =	vsel vm6, $0x1, v0  }
0x38: {  	v1 =	vsel vm6, $0x3, v1;
	v2 =	vsel vm6, $0x5, v2;
	v3 =	vsel vm6, $0x7, v3  }
0x39: {  	v4 =	vsel vm6, $0x9, v4;
	v5 =	vsel vm6, $0xB, v5;
	v6 =	vsel vm6, $0xD, v6  }
0x3a: {  	v7 =	vsel vm6, $0xF, v7;
	v8 =	vsel vm6, $0x11, v8;
	v9 =	vsel vm6, $0x13, v9  }
0x3b: {  	v10 =	vsel vm6, $0x15, v10;
	v11 =	vsel vm6, $0x17, v11;
	v12 =	vsel vm6, $0x19, v12  }
0x3c: {  	v13 =	vsel vm6, $0x1B, v13;
	v14 =	vsel vm6, $0x1D, v14;
	v15 =	vsel vm6, $0x1F, v15  }
0x3d: {  	v0 =	vsel vm5, $0x4001, v0;
	v1 =	vsel vm5, $0x4003, v1;
	v2 =	vsel vm5, $0x4005, v2  }
0x3e: {  	v3 =	vsel vm5, $0x4007, v3;
	v4 =	vsel vm5, $0x4009, v4;
	v5 =	vsel vm5, $0x400B, v5  }
0x3f: {  	v6 =	vsel vm5, $0x400D, v6;
	v7 =	vsel vm5, $0x400F, v7;
	v8 =	vsel vm5, $0x4011, v8  }
0x40: {  	v9 =	vsel vm5, $0x4013, v9;
	v10 =	vsel vm5, $0x4015, v10;
	v11 =	vsel vm5, $0x4017, v11  }
0x41: {  	v12 =	vsel vm5, $0x4019, v12;
	v13 =	vsel vm5, $0x401B, v13;
	v14 =	vsel vm5, $0x401D, v14  }
0x42: {  	v15 =	vsel vm5, $0x401F, v15;
	v0 =	vsel vm4, $0x8001, v0;
	v1 =	vsel vm4, $0x8003, v1  }
0x43: {  	v2 =	vsel vm4, $0x8005, v2;
	v3 =	vsel vm4, $0x8007, v3;
	v4 =	vsel vm4, $0x8009, v4  }
0x44: {  	v5 =	vsel vm4, $0x800B, v5;
	v6 =	vsel vm4, $0x800D, v6;
	v7 =	vsel vm4, $0x800F, v7  }
0x45: {  	v8 =	vsel vm4, $0x8011, v8;
	v9 =	vsel vm4, $0x8013, v9;
	v10 =	vsel vm4, $0x8015, v10  }
0x46: {  	v11 =	vsel vm4, $0x8017, v11;
	v12 =	vsel vm4, $0x8019, v12;
	v13 =	vsel vm4, $0x801B, v13  }
0x47: {  	v14 =	vsel vm4, $0x801D, v14;
	v15 =	vsel vm4, $0x801F, v15;
	v0 =	vsel vm3, $0xC001, v0  }
0x48: {  	v1 =	vsel vm3, $0xC003, v1;
	v2 =	vsel vm3, $0xC005, v2;
	v3 =	vsel vm3, $0xC007, v3  }
0x49: {  	v4 =	vsel vm3, $0xC009, v4;
	v5 =	vsel vm3, $0xC00B, v5;
	v6 =	vsel vm3, $0xC00D, v6  }
0x4a: {  	v7 =	vsel vm3, $0xC00F, v7;
	v8 =	vsel vm3, $0xC011, v8;
	v9 =	vsel vm3, $0xC013, v9  }
0x4b: {  	v10 =	vsel vm3, $0xC015, v10;
	v11 =	vsel vm3, $0xC017, v11;
	v12 =	vsel vm3, $0xC019, v12  }
0x4c: {  	v13 =	vsel vm3, $0xC01B, v13;
	v14 =	vsel vm3, $0xC01D, v14;
	v15 =	vsel vm3, $0xC01F, v15  }
0x4d: {  	v0 =	vsel vm2, $0x10001, v0;
	v1 =	vsel vm2, $0x10003, v1;
	v2 =	vsel vm2, $0x10005, v2  }
0x4e: {  	v3 =	vsel vm2, $0x10007, v3;
	v4 =	vsel vm2, $0x10009, v4;
	v5 =	vsel vm2, $0x1000B, v5  }
0x4f: {  	v6 =	vsel vm2, $0x1000D, v6;
	v7 =	vsel vm2, $0x1000F, v7;
	v8 =	vsel vm2, $0x10011, v8  }
0x50: {  	v9 =	vsel vm2, $0x10013, v9;
	v10 =	vsel vm2, $0x10015, v10;
	v11 =	vsel vm2, $0x10017, v11  }
0x51: {  	v12 =	vsel vm2, $0x10019, v12;
	v13 =	vsel vm2, $0x1001B, v13;
	v14 =	vsel vm2, $0x1001D, v14  }
0x52: {  	v15 =	vsel vm2, $0x1001F, v15;
	v0 =	vsel vm1, $0x14001, v0;
	v1 =	vsel vm1, $0x14003, v1  }
0x53: {  	s0 =	srdreg.scid;
	s26 =	rddreg [dreg:$0x0];
	v2 =	vsel vm1, $0x14005, v2;
	v3 =	vsel vm1, $0x14007, v3;
	v4 =	vsel vm1, $0x14009, v4  }
0x54: {  	s1 =	stileid.u32;
	s3 =	rddreg [dreg:$0x2];
	v5 =	vsel vm1, $0x1400B, v5;
	v6 =	vsel vm1, $0x1400D, v6;
	v7 =	vsel vm1, $0x1400F, v7  }
0x55: {  	s4 =	simm.s32 $0x0;
	s15 =	simm.s32 $0x5800;
	s16 =	simm.s32 $0x6000;
	v8 =	vsel vm1, $0x14011, v8;
	v9 =	vsel vm1, $0x14013, v9;
	v10 =	vsel vm1, $0x14015, v10  }
0x56: {  	s17 =	simm.s32 $0x6800;
	s18 =	simm.s32 $0x7000;
	s19 =	simm.s32 $0x7800;
	v11 =	vsel vm1, $0x14017, v11;
	v12 =	vsel vm1, $0x14019, v12;
	v13 =	vsel vm1, $0x1401B, v13  }
0x57: {  	s20 =	simm.s32 $0x8000;
	s11 =	simm.s32 $0x8800;
	s10 =	simm.s32 $0x9000;
	v14 =	vsel vm1, $0x1401D, v14;
	v15 =	vsel vm1, $0x1401F, v15;
	v0 =	vsel vm0, $0x18001, v0  }
0x58: {  	s6 =	simm.s32 $0xA000;
	s29 =	simm.s32 $0xB000;
	s30 =	simm.s32 $0xB800;
	v1 =	vsel vm0, $0x18003, v1;
	v2 =	vsel vm0, $0x18005, v2;
	v3 =	vsel vm0, $0x18007, v3  }
0x59: {  	s22 =	simm.s32 $0xC000;
	s28 =	simm.s32 $0xC800;
	s23 =	simm.s32 $0x1;
	v4 =	vsel vm0, $0x18009, v4;
	v5 =	vsel vm0, $0x1800B, v5;
	v6 =	vsel vm0, $0x1800D, v6  }
0x5a: {  	s9 =	simm.s32 $0xF000;
	s24 =	simm.s32 $0xF800;
	s8 =	simm.s32 $0x10000;
	v7 =	vsel vm0, $0x1800F, v7;
	v8 =	vsel vm0, $0x18011, v8;
	v9 =	vsel vm0, $0x18013, v9  }
0x5b: {  	s7 =	simm.s32 $0x10800;
	s12 =	simm.s32 $0x11000;
	s0 =	sand.u32 $0x1, s0;
	v10 =	vsel vm0, $0x18015, v10;
	v11 =	vsel vm0, $0x18017, v11;
	v12 =	vsel vm0, $0x18019, v12  }
0x5c: {  	s21 =	simm.s32 $0x11800;
	s1 =	sshll.u32 s1, $0xA;
	s2 =	sshll.u32 s0, $0x9;
	v13 =	vsel vm0, $0x1801B, v13;
	v14 =	vsel vm0, $0x1801D, v14;
	v16 =	vsel vm0, $0x1801F, v15  }
0x5d: {  	s31 =	simm.s32 $0x12000;
	[smem:$0x7FF] =	sst s4;
	s13 =	sor.u32 s2, s1;
	v15 =	vand.u32 $0x7, v19;
	vm0 =	vmmov $0xffff;
	v19 =	vor.u32 $0x8, v19  }
0x5e: {  	s14 =	simm.s32 $0x0;
	s0 =	ssub.s32 $0x2, s0;
	s1 =	rddreg [dreg:$0x1];
	v0 =	vor.u32 s13, v0;
	v1 =	vor.u32 s13, v1;
	v2 =	vor.u32 s13, v2  }
0x5f: {  	s5 =	sshrl.u32 s0, $0x1;
	_ =	strace $0x80000047;
	s2 =	sadd.s32 s13, s26;
	v3 =	vor.u32 s13, v3;
	v4 =	vor.u32 s13, v4;
	v5 =	vor.u32 s13, v5  }
0x60: {  	[dreg:$0x6] =	wrdreg s14;
	s0 =	ssub.s32 s0, s5;
	s2 =	sadd.s32 $0x400, s2;
	v6 =	vor.u32 s13, v6;
	v7 =	vor.u32 s13, v7;
	v8 =	vor.u32 s13, v8  }
0x61: {  	s25 =	simm.s32 $0x12800;
	s0 =	smax.u32 s0, $0x1;
	[dreg:$0x4] =	wrdreg s2;
	v9 =	vor.u32 s13, v9;
	v10 =	vor.u32 s13, v10;
	v11 =	vor.u32 s13, v11  }
0x62: {  	s26 =	simm.s32 $0x13800;
	s5 =	simm.s32 $0x14800;
	[dreg:$0x5] =	wrdreg s0;
	v12 =	vor.u32 s13, v12;
	v13 =	vor.u32 s13, v13;
	v14 =	vor.u32 s13, v14  }
0x63: {  	s2 =	simm.s32 $0x13000;
	s0 =	simm.s32 $0x14000;
	v16 =	vor.u32 s13, v16;
	v17 =	vmul.u32 $0x400, v15;
	v20 =	vor.u32 $0x8, v15;
	s13 =	simm.s32 $0x2  }
.LBB2_1:
0x64: {  	s14 =	rddreg [dreg:$0x4]  }
0x65: {  	[tilespmem:s4], [sflag:$0x3] =	stream.linear.gather [hbm4b:s14+s4], $0x1000, $0x38;
	[tilespmem:$0x15000] =	vst v63  }
0x66: {  	s14 =	simm.s32 $0x3  }
0x67: {  	_ =	swait.ge [sflag:s14], $0x1000  }
0x68: {  	[sflag:s14] =	ssyncset.done $0x0  }
0x69: {  	[sflag:s14] =	ssyncadd.s32 $0xFFFFF000  }
0x6a: {  	v21 =	vld [tilespmem:$0x0];
	_ =	sdelay $0x4  }
0x6b: {  	v21 =	vadd.s32 v17, v21  }
0x6c: {  	[tilespmem:$0x1000] =	vst v21  }
0x6d: {  	v21 =	vld [tilespmem:$0x1000];
	_ =	sdelay $0x1  }
0x6e: {  	v22 =	vld [tilespmem:$0x10];
	_ =	sdelay $0x2  }
0x6f: {  	v24 =	vshll.u32 v21, $0x1  }
0x70: {  	v21 =	vand.u32 $0x7, v21;
	v24 =	vand.u32 $0xFFFFFFF0, v24  }
0x71: {  	v23 =	vld [tilespmem:$0x20];
	v22 =	vadd.s32 v17, v22;
	v21 =	vor.u32 v21, v24  }
0x72: {  	v61 =	vld [tilespmem:$0x30];
	[tilespmem:$0x1010] =	vst v22;
	v22 =	vperm.xlane v21, v15  }
0x73: {  	[tilespmem:$0x3000] =	vst v0  }
0x74: {  	[tilespmem:$0x3010] =	vst v1;
	v21 =	vperm.xlane v21, v19;
	v22 =	vadd.s32 v18, v22  }
0x75: {  	[tilespmem:$0x3020] =	vst v2  }
0x76: {  	[tilespmem:$0x3030] =	vst v3;
	v23 =	vadd.s32 v17, v23;
	v21 =	vadd.s32 v18, v21  }
0x77: {  	[tilespmem:$0x1020] =	vst v23;
	v23 =	vadd.s32 v17, v61  }
0x78: {  	s14 =	simm.s32 $0x5000;
	[tilespmem:$0x1030] =	vst v23  }
0x79: {  	[tilespmem:s14], [sflag:$0x1] =	stream.indirect_vreg.gather [hbm4b:s1+s4], $0x80, v22, vm0, $0xb8;
	[tilespmem:$0x15000] =	vst v63  }
0x7a: {  	_ = 	snop  }
0x7b: {  	[tilespmem:s15], [sflag:$0x1] =	stream.indirect_vreg.gather [hbm4b:s1+s4], $0x80, v21, vm0, $0xb8;
	[tilespmem:$0x15000] =	vst v63  }
0x7c: {  	v21 =	vld [tilespmem:$0x1010];
	_ =	sdelay $0x4  }
0x7d: {  	v22 =	vshll.u32 v21, $0x1  }
0x7e: {  	v21 =	vand.u32 $0x7, v21;
	v22 =	vand.u32 $0xFFFFFFF0, v22  }
0x7f: {  	v21 =	vor.u32 v21, v22  }
0x80: {  	v22 =	vperm.xlane v21, v15;
	_ =	sdelay $0x1  }
0x81: {  	v21 =	vperm.xlane v21, v19;
	v22 =	vadd.s32 v18, v22;
	_ =	sdelay $0x1  }
0x82: {  	v21 =	vadd.s32 v18, v21;
	_ =	sdelay $0x2  }
0x83: {  	[tilespmem:s16], [sflag:$0x1] =	stream.indirect_vreg.gather [hbm4b:s1+s4], $0x80, v22, vm0, $0xb8;
	[tilespmem:$0x15000] =	vst v63  }
0x84: {  	_ = 	snop  }
0x85: {  	[tilespmem:s17], [sflag:$0x1] =	stream.indirect_vreg.gather [hbm4b:s1+s4], $0x80, v21, vm0, $0xb8;
	[tilespmem:$0x15000] =	vst v63  }
0x86: {  	v21 =	vld [tilespmem:$0x1020];
	_ =	sdelay $0x4  }
0x87: {  	v22 =	vshll.u32 v21, $0x1  }
0x88: {  	v21 =	vand.u32 $0x7, v21;
	v22 =	vand.u32 $0xFFFFFFF0, v22  }
0x89: {  	v21 =	vor.u32 v21, v22  }
0x8a: {  	v22 =	vperm.xlane v21, v15;
	_ =	sdelay $0x1  }
0x8b: {  	v21 =	vperm.xlane v21, v19;
	v22 =	vadd.s32 v18, v22;
	_ =	sdelay $0x1  }
0x8c: {  	v21 =	vadd.s32 v18, v21;
	_ =	sdelay $0x2  }
0x8d: {  	[tilespmem:s18], [sflag:$0x1] =	stream.indirect_vreg.gather [hbm4b:s1+s4], $0x80, v22, vm0, $0xb8;
	[tilespmem:$0x15000] =	vst v63  }
0x8e: {  	_ = 	snop  }
0x8f: {  	[tilespmem:s19], [sflag:$0x1] =	stream.indirect_vreg.gather [hbm4b:s1+s4], $0x80, v21, vm0, $0xb8;
	[tilespmem:$0x15000] =	vst v63  }
0x90: {  	v21 =	vld [tilespmem:$0x1030];
	_ =	sdelay $0x4  }
0x91: {  	v22 =	vshll.u32 v21, $0x1  }
0x92: {  	v21 =	vand.u32 $0x7, v21;
	v22 =	vand.u32 $0xFFFFFFF0, v22  }
0x93: {  	v21 =	vor.u32 v21, v22  }
0x94: {  	v22 =	vperm.xlane v21, v15;
	_ =	sdelay $0x1  }
0x95: {  	v21 =	vperm.xlane v21, v19;
	v22 =	vadd.s32 v18, v22;
	_ =	sdelay $0x1  }
0x96: {  	v21 =	vadd.s32 v18, v21;
	_ =	sdelay $0x2  }
0x97: {  	[tilespmem:s20], [sflag:$0x1] =	stream.indirect_vreg.gather [hbm4b:s1+s4], $0x80, v22, vm0, $0xb8;
	[tilespmem:$0x15000] =	vst v63  }
0x98: {  	_ = 	snop  }
0x99: {  	[tilespmem:s11], [sflag:$0x1] =	stream.indirect_vreg.gather [hbm4b:s1+s4], $0x80, v21, vm0, $0xb8;
	[tilespmem:$0x15000] =	vst v63  }
0x9a: {  	v21 =	vld [tilespmem:$0x40];
	_ =	sdelay $0x4  }
0x9b: {  	v21 =	vadd.s32 v17, v21  }
0x9c: {  	[tilespmem:$0x1080] =	vst v21  }
0x9d: {  	v21 =	vld [tilespmem:$0x1080];
	_ =	sdelay $0x1  }
0x9e: {  	v22 =	vld [tilespmem:$0x50]  }
0x9f: {  	v23 =	vld [tilespmem:$0x60];
	_ =	sdelay $0x1  }
0xa0: {  	v62 =	vshll.u32 v21, $0x1  }
0xa1: {  	v21 =	vand.u32 $0x7, v21;
	v24 =	vand.u32 $0xFFFFFFF0, v62  }
0xa2: {  	v22 =	vadd.s32 v17, v22;
	v21 =	vor.u32 v21, v24  }
0xa3: {  	v63 =	vld [tilespmem:$0x70];
	[tilespmem:$0x1090] =	vst v22;
	v22 =	vadd.s32 v17, v23;
	v23 =	vperm.xlane v21, v15  }
0xa4: {  	[tilespmem:$0x3080] =	vst v4  }
0xa5: {  	[tilespmem:$0x10A0] =	vst v22;
	v21 =	vperm.xlane v21, v19;
	v22 =	vadd.s32 v18, v23  }
0xa6: {  	[tilespmem:$0x3090] =	vst v5  }
0xa7: {  	[tilespmem:$0x30A0] =	vst v6;
	v21 =	vadd.s32 v18, v21  }
0xa8: {  	[tilespmem:$0x30B0] =	vst v7;
	v23 =	vadd.s32 v17, v63  }
0xa9: {  	[tilespmem:$0x10B0] =	vst v23  }
0xaa: {  	[tilespmem:s10], [sflag:$0x1] =	stream.indirect_vreg.gather [hbm4b:s1+s4], $0x80, v22, vm0, $0xb8;
	[tilespmem:$0x15000] =	vst v63  }
0xab: {  	s14 =	simm.s32 $0x9800  }
0xac: {  	[tilespmem:s14], [sflag:$0x1] =	stream.indirect_vreg.gather [hbm4b:s1+s4], $0x80, v21, vm0, $0xb8;
	[tilespmem:$0x15000] =	vst v63  }
0xad: {  	v21 =	vld [tilespmem:$0x1090];
	_ =	sdelay $0x4  }
0xae: {  	v22 =	vshll.u32 v21, $0x1  }
0xaf: {  	v21 =	vand.u32 $0x7, v21;
	v22 =	vand.u32 $0xFFFFFFF0, v22  }
0xb0: {  	v21 =	vor.u32 v21, v22  }
0xb1: {  	v22 =	vperm.xlane v21, v15;
	_ =	sdelay $0x1  }
0xb2: {  	v21 =	vperm.xlane v21, v19;
	v22 =	vadd.s32 v18, v22;
	_ =	sdelay $0x1  }
0xb3: {  	v21 =	vadd.s32 v18, v21;
	_ =	sdelay $0x2  }
0xb4: {  	[tilespmem:s6], [sflag:$0x1] =	stream.indirect_vreg.gather [hbm4b:s1+s4], $0x80, v22, vm0, $0xb8;
	[tilespmem:$0x15000] =	vst v63  }
0xb5: {  	s14 =	simm.s32 $0xA800  }
0xb6: {  	[tilespmem:s14], [sflag:$0x1] =	stream.indirect_vreg.gather [hbm4b:s1+s4], $0x80, v21, vm0, $0xb8;
	[tilespmem:$0x15000] =	vst v63  }
0xb7: {  	v21 =	vld [tilespmem:$0x10A0];
	_ =	sdelay $0x4  }
0xb8: {  	v22 =	vshll.u32 v21, $0x1  }
0xb9: {  	v21 =	vand.u32 $0x7, v21;
	v22 =	vand.u32 $0xFFFFFFF0, v22  }
0xba: {  	v21 =	vor.u32 v21, v22  }
0xbb: {  	v22 =	vperm.xlane v21, v15;
	_ =	sdelay $0x1  }
0xbc: {  	v21 =	vperm.xlane v21, v19;
	v22 =	vadd.s32 v18, v22;
	_ =	sdelay $0x1  }
0xbd: {  	v21 =	vadd.s32 v18, v21;
	_ =	sdelay $0x2  }
0xbe: {  	[tilespmem:s29], [sflag:$0x1] =	stream.indirect_vreg.gather [hbm4b:s1+s4], $0x80, v22, vm0, $0xb8;
	[tilespmem:$0x15000] =	vst v63  }
0xbf: {  	_ = 	snop  }
0xc0: {  	[tilespmem:s30], [sflag:$0x1] =	stream.indirect_vreg.gather [hbm4b:s1+s4], $0x80, v21, vm0, $0xb8;
	[tilespmem:$0x15000] =	vst v63  }
0xc1: {  	v21 =	vld [tilespmem:$0x10B0];
	_ =	sdelay $0x4  }
0xc2: {  	v22 =	vshll.u32 v21, $0x1  }
0xc3: {  	v21 =	vand.u32 $0x7, v21;
	v22 =	vand.u32 $0xFFFFFFF0, v22  }
0xc4: {  	v21 =	vor.u32 v21, v22  }
0xc5: {  	v22 =	vperm.xlane v21, v15;
	_ =	sdelay $0x1  }
0xc6: {  	v21 =	vperm.xlane v21, v19;
	v22 =	vadd.s32 v18, v22;
	_ =	sdelay $0x1  }
0xc7: {  	v21 =	vadd.s32 v18, v21;
	_ =	sdelay $0x2  }
0xc8: {  	[tilespmem:s22], [sflag:$0x1] =	stream.indirect_vreg.gather [hbm4b:s1+s4], $0x80, v22, vm0, $0xb8;
	[tilespmem:$0x15000] =	vst v63  }
0xc9: {  	_ = 	snop  }
0xca: {  	[tilespmem:s28], [sflag:$0x1] =	stream.indirect_vreg.gather [hbm4b:s1+s4], $0x80, v21, vm0, $0xb8;
	[tilespmem:$0x15000] =	vst v63  }
0xcb: {  	v21 =	vld [tilespmem:$0x80];
	_ =	sdelay $0x3  }
0xcc: {  	v22 =	vld [tilespmem:$0x90]  }
0xcd: {  	v23 =	vld [tilespmem:$0xA0];
	[tilespmem:$0x3100] =	vst v8;
	v21 =	vadd.s32 v17, v21  }
0xce: {  	[tilespmem:$0x1100] =	vst v21;
	v21 =	vld [tilespmem:$0xB0]  }
0xcf: {  	[tilespmem:$0x3110] =	vst v9  }
0xd0: {  	[tilespmem:$0x3120] =	vst v10  }
0xd1: {  	[tilespmem:$0x3130] =	vst v11;
	v22 =	vadd.s32 v17, v22  }
0xd2: {  	[tilespmem:$0x1110] =	vst v22;
	v22 =	vadd.s32 v17, v23  }
0xd3: {  	[tilespmem:$0x1120] =	vst v22;
	v21 =	vadd.s32 v17, v21  }
0xd4: {  	[tilespmem:$0x1130] =	vst v21  }
0xd5: {  	_ =	swait.ge [sflag:s23], $0x4000  }
0xd6: {  	[sflag:s23] =	ssyncset.done $0x0  }
0xd7: {  	[sflag:s23] =	ssyncadd.s32 $0xFFFFC000  }
0xd8: {  	v21 =	vld [tilespmem:$0x3000];
	_ =	sdelay $0x4  }
0xd9: {  	v22 =	vshll.u32 v21, $0x1  }
0xda: {  	v21 =	vand.u32 $0x7, v21;
	v22 =	vand.u32 $0xFFFFFFF0, v22  }
0xdb: {  	v21 =	vor.u32 v21, v22  }
0xdc: {  	v22 =	vperm.xlane v21, v15;
	_ =	sdelay $0x1  }
0xdd: {  	v21 =	vperm.xlane v21, v19;
	v22 =	vadd.s32 v18, v22;
	_ =	sdelay $0x1  }
0xde: {  	v21 =	vadd.s32 v18, v21;
	_ =	sdelay $0x1  }
0xdf: {  	s14 =	simm.s32 $0x5000  }
0xe0: {  	[hbm4b:s3+s4] =	stream.indirect_vreg.scatter [tilespmem:s14], [sflag:$0x2], $0x80, v22, vm0, $0xb8;
	[tilespmem:$0x15000] =	vst v63  }
0xe1: {  	_ = 	snop  }
0xe2: {  	[hbm4b:s3+s4] =	stream.indirect_vreg.scatter [tilespmem:s15], [sflag:$0x2], $0x80, v21, vm0, $0xb8;
	[tilespmem:$0x15000] =	vst v63  }
0xe3: {  	v21 =	vld [tilespmem:$0x3010];
	_ =	sdelay $0x4  }
0xe4: {  	v22 =	vshll.u32 v21, $0x1  }
0xe5: {  	v21 =	vand.u32 $0x7, v21;
	v22 =	vand.u32 $0xFFFFFFF0, v22  }
0xe6: {  	v21 =	vor.u32 v21, v22  }
0xe7: {  	v22 =	vperm.xlane v21, v15;
	_ =	sdelay $0x1  }
0xe8: {  	v21 =	vperm.xlane v21, v19;
	v22 =	vadd.s32 v18, v22;
	_ =	sdelay $0x1  }
0xe9: {  	v21 =	vadd.s32 v18, v21;
	_ =	sdelay $0x2  }
0xea: {  	[hbm4b:s3+s4] =	stream.indirect_vreg.scatter [tilespmem:s16], [sflag:$0x2], $0x80, v22, vm0, $0xb8;
	[tilespmem:$0x15000] =	vst v63  }
0xeb: {  	_ = 	snop  }
0xec: {  	[hbm4b:s3+s4] =	stream.indirect_vreg.scatter [tilespmem:s17], [sflag:$0x2], $0x80, v21, vm0, $0xb8;
	[tilespmem:$0x15000] =	vst v63  }
0xed: {  	v21 =	vld [tilespmem:$0x3020];
	_ =	sdelay $0x4  }
0xee: {  	v22 =	vshll.u32 v21, $0x1  }
0xef: {  	v21 =	vand.u32 $0x7, v21;
	v22 =	vand.u32 $0xFFFFFFF0, v22  }
0xf0: {  	v21 =	vor.u32 v21, v22  }
0xf1: {  	v22 =	vperm.xlane v21, v15;
	_ =	sdelay $0x1  }
0xf2: {  	v21 =	vperm.xlane v21, v19;
	v22 =	vadd.s32 v18, v22;
	_ =	sdelay $0x1  }
0xf3: {  	v21 =	vadd.s32 v18, v21;
	_ =	sdelay $0x2  }
0xf4: {  	[hbm4b:s3+s4] =	stream.indirect_vreg.scatter [tilespmem:s18], [sflag:$0x2], $0x80, v22, vm0, $0xb8;
	[tilespmem:$0x15000] =	vst v63  }
0xf5: {  	_ = 	snop  }
0xf6: {  	[hbm4b:s3+s4] =	stream.indirect_vreg.scatter [tilespmem:s19], [sflag:$0x2], $0x80, v21, vm0, $0xb8;
	[tilespmem:$0x15000] =	vst v63  }
0xf7: {  	v21 =	vld [tilespmem:$0x3030];
	_ =	sdelay $0x4  }
0xf8: {  	v22 =	vshll.u32 v21, $0x1  }
0xf9: {  	v21 =	vand.u32 $0x7, v21;
	v22 =	vand.u32 $0xFFFFFFF0, v22  }
0xfa: {  	v21 =	vor.u32 v21, v22  }
0xfb: {  	v22 =	vperm.xlane v21, v15;
	_ =	sdelay $0x1  }
0xfc: {  	v21 =	vperm.xlane v21, v19;
	v22 =	vadd.s32 v18, v22;
	_ =	sdelay $0x1  }
0xfd: {  	v21 =	vadd.s32 v18, v21;
	_ =	sdelay $0x2  }
0xfe: {  	[hbm4b:s3+s4] =	stream.indirect_vreg.scatter [tilespmem:s20], [sflag:$0x2], $0x80, v22, vm0, $0xb8;
	[tilespmem:$0x15000] =	vst v63  }
0xff: {  	_ = 	snop  }
0x100: {  	[hbm4b:s3+s4] =	stream.indirect_vreg.scatter [tilespmem:s11], [sflag:$0x2], $0x80, v21, vm0, $0xb8;
	[tilespmem:$0x15000] =	vst v63  }
0x101: {  	v21 =	vld [tilespmem:$0x1100];
	_ =	sdelay $0x4  }
0x102: {  	v22 =	vshll.u32 v21, $0x1  }
0x103: {  	v21 =	vand.u32 $0x7, v21;
	v22 =	vand.u32 $0xFFFFFFF0, v22  }
0x104: {  	v21 =	vor.u32 v21, v22  }
0x105: {  	v22 =	vperm.xlane v21, v15;
	_ =	sdelay $0x1  }
0x106: {  	v21 =	vperm.xlane v21, v19;
	v22 =	vadd.s32 v18, v22;
	_ =	sdelay $0x1  }
0x107: {  	v21 =	vadd.s32 v18, v21;
	_ =	sdelay $0x1  }
0x108: {  	s15 =	simm.s32 $0xD000  }
0x109: {  	[tilespmem:s15], [sflag:$0x1] =	stream.indirect_vreg.gather [hbm4b:s1+s4], $0x80, v22, vm0, $0xb8;
	[tilespmem:$0x15000] =	vst v63  }
0x10a: {  	s16 =	simm.s32 $0xD800  }
0x10b: {  	[tilespmem:s16], [sflag:$0x1] =	stream.indirect_vreg.gather [hbm4b:s1+s4], $0x80, v21, vm0, $0xb8;
	[tilespmem:$0x15000] =	vst v63  }
0x10c: {  	v21 =	vld [tilespmem:$0x1110];
	_ =	sdelay $0x4  }
0x10d: {  	v22 =	vshll.u32 v21, $0x1  }
0x10e: {  	v21 =	vand.u32 $0x7, v21;
	v22 =	vand.u32 $0xFFFFFFF0, v22  }
0x10f: {  	v21 =	vor.u32 v21, v22  }
0x110: {  	v22 =	vperm.xlane v21, v15;
	_ =	sdelay $0x1  }
0x111: {  	v21 =	vperm.xlane v21, v19;
	v22 =	vadd.s32 v18, v22;
	_ =	sdelay $0x1  }
0x112: {  	v21 =	vadd.s32 v18, v21;
	_ =	sdelay $0x1  }
0x113: {  	s17 =	simm.s32 $0xE000  }
0x114: {  	[tilespmem:s17], [sflag:$0x1] =	stream.indirect_vreg.gather [hbm4b:s1+s4], $0x80, v22, vm0, $0xb8;
	[tilespmem:$0x15000] =	vst v63  }
0x115: {  	s18 =	simm.s32 $0xE800  }
0x116: {  	[tilespmem:s18], [sflag:$0x1] =	stream.indirect_vreg.gather [hbm4b:s1+s4], $0x80, v21, vm0, $0xb8;
	[tilespmem:$0x15000] =	vst v63  }
0x117: {  	v21 =	vld [tilespmem:$0x1120];
	_ =	sdelay $0x4  }
0x118: {  	v22 =	vshll.u32 v21, $0x1  }
0x119: {  	v21 =	vand.u32 $0x7, v21;
	v22 =	vand.u32 $0xFFFFFFF0, v22  }
0x11a: {  	v21 =	vor.u32 v21, v22  }
0x11b: {  	v22 =	vperm.xlane v21, v15;
	_ =	sdelay $0x1  }
0x11c: {  	v21 =	vperm.xlane v21, v19;
	v22 =	vadd.s32 v18, v22;
	_ =	sdelay $0x1  }
0x11d: {  	v21 =	vadd.s32 v18, v21;
	_ =	sdelay $0x2  }
0x11e: {  	[tilespmem:s9], [sflag:$0x1] =	stream.indirect_vreg.gather [hbm4b:s1+s4], $0x80, v22, vm0, $0xb8;
	[tilespmem:$0x15000] =	vst v63  }
0x11f: {  	_ = 	snop  }
0x120: {  	[tilespmem:s24], [sflag:$0x1] =	stream.indirect_vreg.gather [hbm4b:s1+s4], $0x80, v21, vm0, $0xb8;
	[tilespmem:$0x15000] =	vst v63  }
0x121: {  	v21 =	vld [tilespmem:$0x1130];
	_ =	sdelay $0x4  }
0x122: {  	v22 =	vshll.u32 v21, $0x1  }
0x123: {  	v21 =	vand.u32 $0x7, v21;
	v22 =	vand.u32 $0xFFFFFFF0, v22  }
0x124: {  	v21 =	vor.u32 v21, v22  }
0x125: {  	v22 =	vperm.xlane v21, v15;
	_ =	sdelay $0x1  }
0x126: {  	v21 =	vperm.xlane v21, v19;
	v22 =	vadd.s32 v18, v22;
	_ =	sdelay $0x1  }
0x127: {  	v21 =	vadd.s32 v18, v21;
	_ =	sdelay $0x2  }
0x128: {  	[tilespmem:s8], [sflag:$0x1] =	stream.indirect_vreg.gather [hbm4b:s1+s4], $0x80, v22, vm0, $0xb8;
	[tilespmem:$0x15000] =	vst v63  }
0x129: {  	_ = 	snop  }
0x12a: {  	[tilespmem:s7], [sflag:$0x1] =	stream.indirect_vreg.gather [hbm4b:s1+s4], $0x80, v21, vm0, $0xb8;
	[tilespmem:$0x15000] =	vst v63  }
0x12b: {  	v21 =	vld [tilespmem:$0xC0]  }
0x12c: {  	v22 =	vld [tilespmem:$0xD0];
	_ =	sdelay $0x3  }
0x12d: {  	v23 =	vld [tilespmem:$0xE0];
	[tilespmem:$0x3180] =	vst v12;
	v21 =	vadd.s32 v17, v21  }
0x12e: {  	[tilespmem:$0x1180] =	vst v21;
	v21 =	vadd.s32 v17, v22;
	v22 =	vld [tilespmem:$0xF0]  }
0x12f: {  	[tilespmem:$0x3190] =	vst v13  }
0x130: {  	[tilespmem:$0x31A0] =	vst v14  }
0x131: {  	[tilespmem:$0x31B0] =	vst v16  }
0x132: {  	[tilespmem:$0x1190] =	vst v21;
	v21 =	vadd.s32 v17, v23  }
0x133: {  	[tilespmem:$0x11A0] =	vst v21;
	v21 =	vadd.s32 v17, v22  }
0x134: {  	[tilespmem:$0x11B0] =	vst v21  }
0x135: {  	_ =	swait.ge [sflag:s23], $0x4000  }
0x136: {  	[sflag:s23] =	ssyncset.done $0x0  }
0x137: {  	[sflag:s23] =	ssyncadd.s32 $0xFFFFC000  }
0x138: {  	v21 =	vld [tilespmem:$0x3080];
	_ =	sdelay $0x4  }
0x139: {  	v22 =	vshll.u32 v21, $0x1  }
0x13a: {  	v21 =	vand.u32 $0x7, v21;
	v22 =	vand.u32 $0xFFFFFFF0, v22  }
0x13b: {  	v21 =	vor.u32 v21, v22  }
0x13c: {  	v22 =	vperm.xlane v21, v15;
	_ =	sdelay $0x1  }
0x13d: {  	v21 =	vperm.xlane v21, v19;
	v22 =	vadd.s32 v18, v22;
	_ =	sdelay $0x1  }
0x13e: {  	v21 =	vadd.s32 v18, v21;
	_ =	sdelay $0x2  }
0x13f: {  	[hbm4b:s3+s4] =	stream.indirect_vreg.scatter [tilespmem:s10], [sflag:$0x2], $0x80, v22, vm0, $0xb8;
	[tilespmem:$0x15000] =	vst v63  }
0x140: {  	s19 =	simm.s32 $0x9800  }
0x141: {  	[hbm4b:s3+s4] =	stream.indirect_vreg.scatter [tilespmem:s19], [sflag:$0x2], $0x80, v21, vm0, $0xb8;
	[tilespmem:$0x15000] =	vst v63  }
0x142: {  	v21 =	vld [tilespmem:$0x3090];
	_ =	sdelay $0x4  }
0x143: {  	v22 =	vshll.u32 v21, $0x1  }
0x144: {  	v21 =	vand.u32 $0x7, v21;
	v22 =	vand.u32 $0xFFFFFFF0, v22  }
0x145: {  	v21 =	vor.u32 v21, v22  }
0x146: {  	v22 =	vperm.xlane v21, v15;
	_ =	sdelay $0x1  }
0x147: {  	v21 =	vperm.xlane v21, v19;
	v22 =	vadd.s32 v18, v22;
	_ =	sdelay $0x1  }
0x148: {  	v21 =	vadd.s32 v18, v21;
	_ =	sdelay $0x1  }
0x149: {  	s20 =	simm.s32 $0xA000  }
0x14a: {  	[hbm4b:s3+s4] =	stream.indirect_vreg.scatter [tilespmem:s20], [sflag:$0x2], $0x80, v22, vm0, $0xb8;
	[tilespmem:$0x15000] =	vst v63  }
0x14b: {  	s24 =	simm.s32 $0xA800  }
0x14c: {  	[hbm4b:s3+s4] =	stream.indirect_vreg.scatter [tilespmem:s24], [sflag:$0x2], $0x80, v21, vm0, $0xb8;
	[tilespmem:$0x15000] =	vst v63  }
0x14d: {  	v21 =	vld [tilespmem:$0x30A0];
	_ =	sdelay $0x4  }
0x14e: {  	v22 =	vshll.u32 v21, $0x1  }
0x14f: {  	v21 =	vand.u32 $0x7, v21;
	v22 =	vand.u32 $0xFFFFFFF0, v22  }
0x150: {  	v21 =	vor.u32 v21, v22  }
0x151: {  	v22 =	vperm.xlane v21, v15;
	_ =	sdelay $0x1  }
0x152: {  	v21 =	vperm.xlane v21, v19;
	v22 =	vadd.s32 v18, v22;
	_ =	sdelay $0x1  }
0x153: {  	v21 =	vadd.s32 v18, v21;
	_ =	sdelay $0x2  }
0x154: {  	[hbm4b:s3+s4] =	stream.indirect_vreg.scatter [tilespmem:s29], [sflag:$0x2], $0x80, v22, vm0, $0xb8;
	[tilespmem:$0x15000] =	vst v63  }
0x155: {  	_ = 	snop  }
0x156: {  	[hbm4b:s3+s4] =	stream.indirect_vreg.scatter [tilespmem:s30], [sflag:$0x2], $0x80, v21, vm0, $0xb8;
	[tilespmem:$0x15000] =	vst v63  }
0x157: {  	v21 =	vld [tilespmem:$0x30B0];
	_ =	sdelay $0x4  }
0x158: {  	v22 =	vshll.u32 v21, $0x1  }
0x159: {  	v21 =	vand.u32 $0x7, v21;
	v22 =	vand.u32 $0xFFFFFFF0, v22  }
0x15a: {  	v21 =	vor.u32 v21, v22  }
0x15b: {  	v22 =	vperm.xlane v21, v15;
	_ =	sdelay $0x1  }
0x15c: {  	v21 =	vperm.xlane v21, v19;
	v22 =	vadd.s32 v18, v22;
	_ =	sdelay $0x1  }
0x15d: {  	v21 =	vadd.s32 v18, v21;
	_ =	sdelay $0x2  }
0x15e: {  	[hbm4b:s3+s4] =	stream.indirect_vreg.scatter [tilespmem:s22], [sflag:$0x2], $0x80, v22, vm0, $0xb8;
	[tilespmem:$0x15000] =	vst v63  }
0x15f: {  	_ = 	snop  }
0x160: {  	[hbm4b:s3+s4] =	stream.indirect_vreg.scatter [tilespmem:s28], [sflag:$0x2], $0x80, v21, vm0, $0xb8;
	[tilespmem:$0x15000] =	vst v63  }
0x161: {  	v21 =	vld [tilespmem:$0x1180];
	_ =	sdelay $0x4  }
0x162: {  	v22 =	vshll.u32 v21, $0x1  }
0x163: {  	v21 =	vand.u32 $0x7, v21;
	v22 =	vand.u32 $0xFFFFFFF0, v22  }
0x164: {  	v21 =	vor.u32 v21, v22  }
0x165: {  	v22 =	vperm.xlane v21, v15;
	_ =	sdelay $0x1  }
0x166: {  	v21 =	vperm.xlane v21, v19;
	v22 =	vadd.s32 v18, v22;
	_ =	sdelay $0x1  }
0x167: {  	v21 =	vadd.s32 v18, v21;
	_ =	sdelay $0x2  }
0x168: {  	[tilespmem:s12], [sflag:$0x1] =	stream.indirect_vreg.gather [hbm4b:s1+s4], $0x80, v22, vm0, $0xb8;
	[tilespmem:$0x15000] =	vst v63  }
0x169: {  	_ = 	snop  }
0x16a: {  	[tilespmem:s21], [sflag:$0x1] =	stream.indirect_vreg.gather [hbm4b:s1+s4], $0x80, v21, vm0, $0xb8;
	[tilespmem:$0x15000] =	vst v63  }
0x16b: {  	v21 =	vld [tilespmem:$0x1190];
	_ =	sdelay $0x4  }
0x16c: {  	v22 =	vshll.u32 v21, $0x1  }
0x16d: {  	v21 =	vand.u32 $0x7, v21;
	v22 =	vand.u32 $0xFFFFFFF0, v22  }
0x16e: {  	v21 =	vor.u32 v21, v22  }
0x16f: {  	v22 =	vperm.xlane v21, v15;
	_ =	sdelay $0x1  }
0x170: {  	v21 =	vperm.xlane v21, v19;
	v22 =	vadd.s32 v18, v22;
	_ =	sdelay $0x1  }
0x171: {  	v21 =	vadd.s32 v18, v21;
	_ =	sdelay $0x2  }
0x172: {  	[tilespmem:s31], [sflag:$0x1] =	stream.indirect_vreg.gather [hbm4b:s1+s4], $0x80, v22, vm0, $0xb8;
	[tilespmem:$0x15000] =	vst v63  }
0x173: {  	_ = 	snop  }
0x174: {  	[tilespmem:s25], [sflag:$0x1] =	stream.indirect_vreg.gather [hbm4b:s1+s4], $0x80, v21, vm0, $0xb8;
	[tilespmem:$0x15000] =	vst v63  }
0x175: {  	v21 =	vld [tilespmem:$0x11A0];
	_ =	sdelay $0x4  }
0x176: {  	v22 =	vshll.u32 v21, $0x1  }
0x177: {  	v21 =	vand.u32 $0x7, v21;
	v22 =	vand.u32 $0xFFFFFFF0, v22  }
0x178: {  	v21 =	vor.u32 v21, v22  }
0x179: {  	v22 =	vperm.xlane v21, v15;
	_ =	sdelay $0x1  }
0x17a: {  	v21 =	vperm.xlane v21, v19;
	v22 =	vadd.s32 v18, v22;
	_ =	sdelay $0x1  }
0x17b: {  	v21 =	vadd.s32 v18, v21;
	_ =	sdelay $0x2  }
0x17c: {  	[tilespmem:s2], [sflag:$0x1] =	stream.indirect_vreg.gather [hbm4b:s1+s4], $0x80, v22, vm0, $0xb8;
	[tilespmem:$0x15000] =	vst v63  }
0x17d: {  	_ = 	snop  }
0x17e: {  	[tilespmem:s26], [sflag:$0x1] =	stream.indirect_vreg.gather [hbm4b:s1+s4], $0x80, v21, vm0, $0xb8;
	[tilespmem:$0x15000] =	vst v63  }
0x17f: {  	v21 =	vld [tilespmem:$0x11B0];
	_ =	sdelay $0x4  }
0x180: {  	v22 =	vshll.u32 v21, $0x1  }
0x181: {  	v21 =	vand.u32 $0x7, v21;
	v22 =	vand.u32 $0xFFFFFFF0, v22  }
0x182: {  	v21 =	vor.u32 v21, v22  }
0x183: {  	v22 =	vperm.xlane v21, v15;
	_ =	sdelay $0x1  }
0x184: {  	v21 =	vperm.xlane v21, v19;
	v22 =	vadd.s32 v18, v22;
	_ =	sdelay $0x1  }
0x185: {  	v21 =	vadd.s32 v18, v21;
	_ =	sdelay $0x1  }
0x186: {  	s6 =	simm.s32 $0x5000;
	s14 =	simm.s32 $0x3E;
	s15 =	simm.s32 $0x1C0  }
0x187: {  	[tilespmem:s0], [sflag:$0x1] =	stream.indirect_vreg.gather [hbm4b:s1+s4], $0x80, v22, vm0, $0xb8;
	[tilespmem:$0x15000] =	vst v63  }
0x188: {  	s16 =	simm.s32 $0x13B0;
	s17 =	simm.s32 $0x3200;
	s18 =	simm.s32 $0x1C0  }
0x189: {  	[tilespmem:s5], [sflag:$0x1] =	stream.indirect_vreg.gather [hbm4b:s1+s4], $0x80, v21, vm0, $0xb8;
	[tilespmem:$0x15000] =	vst v63  }
.LBB2_2:
0x18a: {  	_ =	swait.ge [sflag:s23], $0x4000  }
0x18b: {  	[sflag:s23] =	ssyncset.done $0x0  }
0x18c: {  	[sflag:s23] =	ssyncadd.s32 $0xFFFFC000  }
0x18d: {  	v21 =	vld [tilespmem:s17+$0xFFFFFF00];
	_ =	sdelay $0x4  }
0x18e: {  	v22 =	vshll.u32 v21, $0x1  }
0x18f: {  	v21 =	vand.u32 $0x7, v21;
	v22 =	vand.u32 $0xFFFFFFF0, v22  }
0x190: {  	v21 =	vor.u32 v21, v22  }
0x191: {  	v22 =	vperm.xlane v21, v15;
	_ =	sdelay $0x1  }
0x192: {  	v21 =	vperm.xlane v21, v20;
	v22 =	vadd.s32 v18, v22;
	_ =	sdelay $0x1  }
0x193: {  	v21 =	vadd.s32 v18, v21;
	_ =	sdelay $0x1  }
0x194: {  	s25 =	simm.s32 $0xD000  }
0x195: {  	[hbm4b:s3+s4] =	stream.indirect_vreg.scatter [tilespmem:s25], [sflag:$0x2], $0x80, v22, vm0, $0xb8;
	[tilespmem:$0x15000] =	vst v63  }
0x196: {  	s0 =	simm.s32 $0xD800  }
0x197: {  	[hbm4b:s3+s4] =	stream.indirect_vreg.scatter [tilespmem:s0], [sflag:$0x2], $0x80, v21, vm0, $0xb8;
	[tilespmem:$0x15000] =	vst v63  }
0x198: {  	v21 =	vld [tilespmem:s17+$0xFFFFFF10];
	_ =	sdelay $0x4  }
0x199: {  	v22 =	vshll.u32 v21, $0x1  }
0x19a: {  	v21 =	vand.u32 $0x7, v21;
	v22 =	vand.u32 $0xFFFFFFF0, v22  }
0x19b: {  	v21 =	vor.u32 v21, v22  }
0x19c: {  	v22 =	vperm.xlane v21, v15;
	_ =	sdelay $0x1  }
0x19d: {  	v21 =	vperm.xlane v21, v20;
	v22 =	vadd.s32 v18, v22;
	_ =	sdelay $0x1  }
0x19e: {  	v21 =	vadd.s32 v18, v21;
	_ =	sdelay $0x1  }
0x19f: {  	s26 =	simm.s32 $0xE000  }
0x1a0: {  	[hbm4b:s3+s4] =	stream.indirect_vreg.scatter [tilespmem:s26], [sflag:$0x2], $0x80, v22, vm0, $0xb8;
	[tilespmem:$0x15000] =	vst v63  }
0x1a1: {  	s31 =	simm.s32 $0xE800  }
0x1a2: {  	[hbm4b:s3+s4] =	stream.indirect_vreg.scatter [tilespmem:s31], [sflag:$0x2], $0x80, v21, vm0, $0xb8;
	[tilespmem:$0x15000] =	vst v63  }
0x1a3: {  	v21 =	vld [tilespmem:s17+$0xFFFFFF20];
	_ =	sdelay $0x4  }
0x1a4: {  	v22 =	vshll.u32 v21, $0x1  }
0x1a5: {  	v21 =	vand.u32 $0x7, v21;
	v22 =	vand.u32 $0xFFFFFFF0, v22  }
0x1a6: {  	v21 =	vor.u32 v21, v22  }
0x1a7: {  	v22 =	vperm.xlane v21, v15;
	_ =	sdelay $0x1  }
0x1a8: {  	v21 =	vperm.xlane v21, v20;
	v22 =	vadd.s32 v18, v22;
	_ =	sdelay $0x1  }
0x1a9: {  	v21 =	vadd.s32 v18, v21;
	_ =	sdelay $0x1  }
0x1aa: {  	s8 =	simm.s32 $0xF000  }
0x1ab: {  	[hbm4b:s3+s4] =	stream.indirect_vreg.scatter [tilespmem:s8], [sflag:$0x2], $0x80, v22, vm0, $0xb8;
	[tilespmem:$0x15000] =	vst v63  }
0x1ac: {  	s9 =	simm.s32 $0xF800  }
0x1ad: {  	[hbm4b:s3+s4] =	stream.indirect_vreg.scatter [tilespmem:s9], [sflag:$0x2], $0x80, v21, vm0, $0xb8;
	[tilespmem:$0x15000] =	vst v63  }
0x1ae: {  	v21 =	vld [tilespmem:s17+$0xFFFFFF30];
	_ =	sdelay $0x4  }
0x1af: {  	v22 =	vshll.u32 v21, $0x1  }
0x1b0: {  	v21 =	vand.u32 $0x7, v21;
	v22 =	vand.u32 $0xFFFFFFF0, v22  }
0x1b1: {  	v21 =	vor.u32 v21, v22  }
0x1b2: {  	v22 =	vperm.xlane v21, v15;
	_ =	sdelay $0x1  }
0x1b3: {  	v21 =	vperm.xlane v21, v20;
	v22 =	vadd.s32 v18, v22;
	_ =	sdelay $0x1  }
0x1b4: {  	v21 =	vadd.s32 v18, v21;
	_ =	sdelay $0x1  }
0x1b5: {  	s10 =	simm.s32 $0x10000  }
0x1b6: {  	[hbm4b:s3+s4] =	stream.indirect_vreg.scatter [tilespmem:s10], [sflag:$0x2], $0x80, v22, vm0, $0xb8;
	[tilespmem:$0x15000] =	vst v63  }
0x1b7: {  	s11 =	simm.s32 $0x10800  }
0x1b8: {  	[hbm4b:s3+s4] =	stream.indirect_vreg.scatter [tilespmem:s11], [sflag:$0x2], $0x80, v21, vm0, $0xb8;
	[tilespmem:$0x15000] =	vst v63  }
0x1b9: {  	_ =	swait.ge [sflag:s13], $0x4000  }
0x1ba: {  	[sflag:s13] =	ssyncset.done $0x0  }
0x1bb: {  	[sflag:s13] =	ssyncadd.s32 $0xFFFFC000  }
0x1bc: {  	v21 =	vld [tilespmem:s15+$0xFFFFFF40];
	_ =	sdelay $0x4  }
0x1bd: {  	s19 =	sadd.s32 $0xFFFFFFE2, s14;
	v21 =	vadd.s32 v17, v21  }
0x1be: {  	[tilespmem:s16+$0xFFFFFE50] =	vst v21;
	v21 =	vadd.s32 s19, v0  }
0x1bf: {  	[tilespmem:s17+$0x0] =	vst v21  }
0x1c0: {  	v21 =	vld [tilespmem:s15+$0xFFFFFF50];
	_ =	sdelay $0x4  }
0x1c1: {  	s12 =	sadd.s32 $0xFFFFFFE4, s14;
	v21 =	vadd.s32 v17, v21  }
0x1c2: {  	[tilespmem:s16+$0xFFFFFE60] =	vst v21;
	v21 =	vadd.s32 s12, v0  }
0x1c3: {  	[tilespmem:s17+$0x10] =	vst v21  }
0x1c4: {  	v21 =	vld [tilespmem:s15+$0xFFFFFF60];
	_ =	sdelay $0x4  }
0x1c5: {  	s20 =	sadd.s32 $0xFFFFFFE6, s14;
	v21 =	vadd.s32 v17, v21  }
0x1c6: {  	[tilespmem:s16+$0xFFFFFE70] =	vst v21;
	v21 =	vadd.s32 s20, v0  }
0x1c7: {  	[tilespmem:s17+$0x20] =	vst v21  }
0x1c8: {  	v21 =	vld [tilespmem:s15+$0xFFFFFF70];
	_ =	sdelay $0x4  }
0x1c9: {  	s21 =	sadd.s32 $0xFFFFFFE8, s14;
	v21 =	vadd.s32 v17, v21  }
0x1ca: {  	[tilespmem:s16+$0xFFFFFE80] =	vst v21;
	v21 =	vadd.s32 s21, v0  }
0x1cb: {  	[tilespmem:s17+$0x30] =	vst v21  }
0x1cc: {  	v21 =	vld [tilespmem:s16+$0xFFFFFE50];
	_ =	sdelay $0x4  }
0x1cd: {  	v22 =	vshll.u32 v21, $0x1  }
0x1ce: {  	v21 =	vand.u32 $0x7, v21;
	v22 =	vand.u32 $0xFFFFFFF0, v22  }
0x1cf: {  	v21 =	vor.u32 v21, v22  }
0x1d0: {  	v22 =	vperm.xlane v21, v15;
	_ =	sdelay $0x1  }
0x1d1: {  	v21 =	vperm.xlane v21, v20;
	v22 =	vadd.s32 v18, v22;
	_ =	sdelay $0x1  }
0x1d2: {  	v21 =	vadd.s32 v18, v21;
	_ =	sdelay $0x2  }
0x1d3: {  	[tilespmem:s6], [sflag:$0x1] =	stream.indirect_vreg.gather [hbm4b:s1+s4], $0x80, v22, vm0, $0xb8;
	[tilespmem:$0x15000] =	vst v63  }
0x1d4: {  	s7 =	simm.s32 $0x5800  }
0x1d5: {  	[tilespmem:s7], [sflag:$0x1] =	stream.indirect_vreg.gather [hbm4b:s1+s4], $0x80, v21, vm0, $0xb8;
	[tilespmem:$0x15000] =	vst v63  }
0x1d6: {  	v21 =	vld [tilespmem:s16+$0xFFFFFE60];
	_ =	sdelay $0x4  }
0x1d7: {  	v22 =	vshll.u32 v21, $0x1  }
0x1d8: {  	v21 =	vand.u32 $0x7, v21;
	v22 =	vand.u32 $0xFFFFFFF0, v22  }
0x1d9: {  	v21 =	vor.u32 v21, v22  }
0x1da: {  	v22 =	vperm.xlane v21, v15;
	_ =	sdelay $0x1  }
0x1db: {  	v21 =	vperm.xlane v21, v20;
	v22 =	vadd.s32 v18, v22;
	_ =	sdelay $0x1  }
0x1dc: {  	v21 =	vadd.s32 v18, v21;
	_ =	sdelay $0x1  }
0x1dd: {  	s0 =	simm.s32 $0x6000  }
0x1de: {  	[tilespmem:s0], [sflag:$0x1] =	stream.indirect_vreg.gather [hbm4b:s1+s4], $0x80, v22, vm0, $0xb8;
	[tilespmem:$0x15000] =	vst v63  }
0x1df: {  	s2 =	simm.s32 $0x6800  }
0x1e0: {  	[tilespmem:s2], [sflag:$0x1] =	stream.indirect_vreg.gather [hbm4b:s1+s4], $0x80, v21, vm0, $0xb8;
	[tilespmem:$0x15000] =	vst v63  }
0x1e1: {  	v21 =	vld [tilespmem:s16+$0xFFFFFE70];
	_ =	sdelay $0x4  }
0x1e2: {  	v22 =	vshll.u32 v21, $0x1  }
0x1e3: {  	v21 =	vand.u32 $0x7, v21;
	v22 =	vand.u32 $0xFFFFFFF0, v22  }
0x1e4: {  	v21 =	vor.u32 v21, v22  }
0x1e5: {  	v22 =	vperm.xlane v21, v15;
	_ =	sdelay $0x1  }
0x1e6: {  	v21 =	vperm.xlane v21, v20;
	v22 =	vadd.s32 v18, v22;
	_ =	sdelay $0x1  }
0x1e7: {  	v21 =	vadd.s32 v18, v21;
	_ =	sdelay $0x1  }
0x1e8: {  	s5 =	simm.s32 $0x7000  }
0x1e9: {  	[tilespmem:s5], [sflag:$0x1] =	stream.indirect_vreg.gather [hbm4b:s1+s4], $0x80, v22, vm0, $0xb8;
	[tilespmem:$0x15000] =	vst v63  }
0x1ea: {  	s30 =	simm.s32 $0x7800  }
0x1eb: {  	[tilespmem:s30], [sflag:$0x1] =	stream.indirect_vreg.gather [hbm4b:s1+s4], $0x80, v21, vm0, $0xb8;
	[tilespmem:$0x15000] =	vst v63  }
0x1ec: {  	v21 =	vld [tilespmem:s16+$0xFFFFFE80];
	_ =	sdelay $0x4  }
0x1ed: {  	v22 =	vshll.u32 v21, $0x1  }
0x1ee: {  	v21 =	vand.u32 $0x7, v21;
	v22 =	vand.u32 $0xFFFFFFF0, v22  }
0x1ef: {  	v21 =	vor.u32 v21, v22  }
0x1f0: {  	v22 =	vperm.xlane v21, v15;
	_ =	sdelay $0x1  }
0x1f1: {  	v21 =	vperm.xlane v21, v20;
	v22 =	vadd.s32 v18, v22;
	_ =	sdelay $0x1  }
0x1f2: {  	v21 =	vadd.s32 v18, v21;
	_ =	sdelay $0x1  }
0x1f3: {  	s9 =	simm.s32 $0x8000  }
0x1f4: {  	[tilespmem:s9], [sflag:$0x1] =	stream.indirect_vreg.gather [hbm4b:s1+s4], $0x80, v22, vm0, $0xb8;
	[tilespmem:$0x15000] =	vst v63  }
0x1f5: {  	s8 =	simm.s32 $0x8800  }
0x1f6: {  	[tilespmem:s8], [sflag:$0x1] =	stream.indirect_vreg.gather [hbm4b:s1+s4], $0x80, v21, vm0, $0xb8;
	[tilespmem:$0x15000] =	vst v63  }
0x1f7: {  	_ =	swait.ge [sflag:s23], $0x4000  }
0x1f8: {  	[sflag:s23] =	ssyncset.done $0x0  }
0x1f9: {  	[sflag:s23] =	ssyncadd.s32 $0xFFFFC000  }
0x1fa: {  	v21 =	vld [tilespmem:s17+$0xFFFFFF80];
	_ =	sdelay $0x4  }
0x1fb: {  	v22 =	vshll.u32 v21, $0x1  }
0x1fc: {  	v21 =	vand.u32 $0x7, v21;
	v22 =	vand.u32 $0xFFFFFFF0, v22  }
0x1fd: {  	v21 =	vor.u32 v21, v22  }
0x1fe: {  	v22 =	vperm.xlane v21, v15;
	_ =	sdelay $0x1  }
0x1ff: {  	v21 =	vperm.xlane v21, v20;
	v22 =	vadd.s32 v18, v22;
	_ =	sdelay $0x1  }
0x200: {  	v21 =	vadd.s32 v18, v21;
	_ =	sdelay $0x1  }
0x201: {  	s22 =	simm.s32 $0x11000  }
0x202: {  	[hbm4b:s3+s4] =	stream.indirect_vreg.scatter [tilespmem:s22], [sflag:$0x2], $0x80, v22, vm0, $0xb8;
	[tilespmem:$0x15000] =	vst v63  }
0x203: {  	s24 =	simm.s32 $0x11800  }
0x204: {  	[hbm4b:s3+s4] =	stream.indirect_vreg.scatter [tilespmem:s24], [sflag:$0x2], $0x80, v21, vm0, $0xb8;
	[tilespmem:$0x15000] =	vst v63  }
0x205: {  	v21 =	vld [tilespmem:s17+$0xFFFFFF90];
	_ =	sdelay $0x4  }
0x206: {  	v22 =	vshll.u32 v21, $0x1  }
0x207: {  	v21 =	vand.u32 $0x7, v21;
	v22 =	vand.u32 $0xFFFFFFF0, v22  }
0x208: {  	v21 =	vor.u32 v21, v22  }
0x209: {  	v22 =	vperm.xlane v21, v15;
	_ =	sdelay $0x1  }
0x20a: {  	v21 =	vperm.xlane v21, v20;
	v22 =	vadd.s32 v18, v22;
	_ =	sdelay $0x1  }
0x20b: {  	v21 =	vadd.s32 v18, v21;
	_ =	sdelay $0x1  }
0x20c: {  	s28 =	simm.s32 $0x12000  }
0x20d: {  	[hbm4b:s3+s4] =	stream.indirect_vreg.scatter [tilespmem:s28], [sflag:$0x2], $0x80, v22, vm0, $0xb8;
	[tilespmem:$0x15000] =	vst v63  }
0x20e: {  	s29 =	simm.s32 $0x12800  }
0x20f: {  	[hbm4b:s3+s4] =	stream.indirect_vreg.scatter [tilespmem:s29], [sflag:$0x2], $0x80, v21, vm0, $0xb8;
	[tilespmem:$0x15000] =	vst v63  }
0x210: {  	v21 =	vld [tilespmem:s17+$0xFFFFFFA0];
	_ =	sdelay $0x4  }
0x211: {  	v22 =	vshll.u32 v21, $0x1  }
0x212: {  	v21 =	vand.u32 $0x7, v21;
	v22 =	vand.u32 $0xFFFFFFF0, v22  }
0x213: {  	v21 =	vor.u32 v21, v22  }
0x214: {  	v22 =	vperm.xlane v21, v15;
	_ =	sdelay $0x1  }
0x215: {  	v21 =	vperm.xlane v21, v20;
	v22 =	vadd.s32 v18, v22;
	_ =	sdelay $0x1  }
0x216: {  	v21 =	vadd.s32 v18, v21;
	_ =	sdelay $0x1  }
0x217: {  	s10 =	simm.s32 $0x13000  }
0x218: {  	[hbm4b:s3+s4] =	stream.indirect_vreg.scatter [tilespmem:s10], [sflag:$0x2], $0x80, v22, vm0, $0xb8;
	[tilespmem:$0x15000] =	vst v63  }
0x219: {  	s11 =	simm.s32 $0x13800  }
0x21a: {  	[hbm4b:s3+s4] =	stream.indirect_vreg.scatter [tilespmem:s11], [sflag:$0x2], $0x80, v21, vm0, $0xb8;
	[tilespmem:$0x15000] =	vst v63  }
0x21b: {  	v21 =	vld [tilespmem:s17+$0xFFFFFFB0];
	_ =	sdelay $0x4  }
0x21c: {  	v22 =	vshll.u32 v21, $0x1  }
0x21d: {  	v21 =	vand.u32 $0x7, v21;
	v22 =	vand.u32 $0xFFFFFFF0, v22  }
0x21e: {  	v21 =	vor.u32 v21, v22  }
0x21f: {  	v22 =	vperm.xlane v21, v15;
	_ =	sdelay $0x1  }
0x220: {  	v21 =	vperm.xlane v21, v20;
	v22 =	vadd.s32 v18, v22;
	_ =	sdelay $0x1  }
0x221: {  	v21 =	vadd.s32 v18, v21;
	_ =	sdelay $0x1  }
0x222: {  	s12 =	simm.s32 $0x14000  }
0x223: {  	[hbm4b:s3+s4] =	stream.indirect_vreg.scatter [tilespmem:s12], [sflag:$0x2], $0x80, v22, vm0, $0xb8;
	[tilespmem:$0x15000] =	vst v63  }
0x224: {  	s19 =	simm.s32 $0x14800  }
0x225: {  	[hbm4b:s3+s4] =	stream.indirect_vreg.scatter [tilespmem:s19], [sflag:$0x2], $0x80, v21, vm0, $0xb8;
	[tilespmem:$0x15000] =	vst v63  }
0x226: {  	_ =	swait.ge [sflag:s13], $0x4000  }
0x227: {  	[sflag:s13] =	ssyncset.done $0x0  }
0x228: {  	[sflag:s13] =	ssyncadd.s32 $0xFFFFC000  }
0x229: {  	v21 =	vld [tilespmem:s15+$0xFFFFFF80];
	_ =	sdelay $0x4  }
0x22a: {  	s20 =	sadd.s32 $0xFFFFFFEA, s14;
	v21 =	vadd.s32 v17, v21  }
0x22b: {  	s21 =	sadd.s32 $0xFFFFFF80, s18;
	[tilespmem:s16+$0xFFFFFED0] =	vst v21;
	v21 =	vadd.s32 s20, v0  }
0x22c: {  	s20 =	sor.u32 $0x50, s21;
	[tilespmem:s17+$0x80] =	vst v21  }
0x22d: {  	v21 =	vld [tilespmem:s20+$0x0];
	_ =	sdelay $0x4  }
0x22e: {  	s22 =	sadd.s32 $0xFFFFFFEC, s14;
	v21 =	vadd.s32 v17, v21  }
0x22f: {  	[tilespmem:s16+$0xFFFFFEE0] =	vst v21;
	v21 =	vadd.s32 s22, v0  }
0x230: {  	s24 =	sor.u32 $0x60, s21;
	[tilespmem:s17+$0x90] =	vst v21  }
0x231: {  	v21 =	vld [tilespmem:s24+$0x0];
	_ =	sdelay $0x4  }
0x232: {  	s28 =	sadd.s32 $0xFFFFFFEE, s14;
	v21 =	vadd.s32 v17, v21  }
0x233: {  	v22 =	vadd.s32 s28, v0;
	[tilespmem:s16+$0xFFFFFEF0] =	vst v21  }
0x234: {  	s19 =	sor.u32 $0x70, s21;
	[tilespmem:s17+$0xA0] =	vst v22  }
0x235: {  	v21 =	vld [tilespmem:s19+$0x0];
	_ =	sdelay $0x4  }
0x236: {  	s29 =	sadd.s32 $0xFFFFFFF0, s14;
	v21 =	vadd.s32 v17, v21  }
0x237: {  	[tilespmem:s16+$0xFFFFFF00] =	vst v21;
	v21 =	vadd.s32 s29, v0  }
0x238: {  	[tilespmem:s17+$0xB0] =	vst v21  }
0x239: {  	v21 =	vld [tilespmem:s16+$0xFFFFFED0];
	_ =	sdelay $0x4  }
0x23a: {  	v22 =	vshll.u32 v21, $0x1  }
0x23b: {  	v21 =	vand.u32 $0x7, v21;
	v22 =	vand.u32 $0xFFFFFFF0, v22  }
0x23c: {  	v21 =	vor.u32 v21, v22  }
0x23d: {  	v22 =	vperm.xlane v21, v15;
	_ =	sdelay $0x1  }
0x23e: {  	v21 =	vperm.xlane v21, v20;
	v22 =	vadd.s32 v18, v22;
	_ =	sdelay $0x1  }
0x23f: {  	v21 =	vadd.s32 v18, v21;
	_ =	sdelay $0x1  }
0x240: {  	s20 =	simm.s32 $0x9000  }
0x241: {  	[tilespmem:s20], [sflag:$0x1] =	stream.indirect_vreg.gather [hbm4b:s1+s4], $0x80, v22, vm0, $0xb8;
	[tilespmem:$0x15000] =	vst v63  }
0x242: {  	s10 =	simm.s32 $0x9800  }
0x243: {  	[tilespmem:s10], [sflag:$0x1] =	stream.indirect_vreg.gather [hbm4b:s1+s4], $0x80, v21, vm0, $0xb8;
	[tilespmem:$0x15000] =	vst v63  }
0x244: {  	v21 =	vld [tilespmem:s16+$0xFFFFFEE0];
	_ =	sdelay $0x4  }
0x245: {  	v22 =	vshll.u32 v21, $0x1  }
0x246: {  	v21 =	vand.u32 $0x7, v21;
	v22 =	vand.u32 $0xFFFFFFF0, v22  }
0x247: {  	v21 =	vor.u32 v21, v22  }
0x248: {  	v22 =	vperm.xlane v21, v15;
	_ =	sdelay $0x1  }
0x249: {  	v21 =	vperm.xlane v21, v20;
	v22 =	vadd.s32 v18, v22;
	_ =	sdelay $0x1  }
0x24a: {  	v21 =	vadd.s32 v18, v21;
	_ =	sdelay $0x1  }
0x24b: {  	s11 =	simm.s32 $0xA000  }
0x24c: {  	[tilespmem:s11], [sflag:$0x1] =	stream.indirect_vreg.gather [hbm4b:s1+s4], $0x80, v22, vm0, $0xb8;
	[tilespmem:$0x15000] =	vst v63  }
0x24d: {  	s12 =	simm.s32 $0xA800  }
0x24e: {  	[tilespmem:s12], [sflag:$0x1] =	stream.indirect_vreg.gather [hbm4b:s1+s4], $0x80, v21, vm0, $0xb8;
	[tilespmem:$0x15000] =	vst v63  }
0x24f: {  	v21 =	vld [tilespmem:s16+$0xFFFFFEF0];
	_ =	sdelay $0x4  }
0x250: {  	v22 =	vshll.u32 v21, $0x1  }
0x251: {  	v21 =	vand.u32 $0x7, v21;
	v22 =	vand.u32 $0xFFFFFFF0, v22  }
0x252: {  	v21 =	vor.u32 v21, v22  }
0x253: {  	v22 =	vperm.xlane v21, v15;
	_ =	sdelay $0x1  }
0x254: {  	v21 =	vperm.xlane v21, v20;
	v22 =	vadd.s32 v18, v22;
	_ =	sdelay $0x1  }
0x255: {  	v21 =	vadd.s32 v18, v21;
	_ =	sdelay $0x1  }
0x256: {  	s28 =	simm.s32 $0xB000  }
0x257: {  	[tilespmem:s28], [sflag:$0x1] =	stream.indirect_vreg.gather [hbm4b:s1+s4], $0x80, v22, vm0, $0xb8;
	[tilespmem:$0x15000] =	vst v63  }
0x258: {  	s21 =	simm.s32 $0xB800  }
0x259: {  	[tilespmem:s21], [sflag:$0x1] =	stream.indirect_vreg.gather [hbm4b:s1+s4], $0x80, v21, vm0, $0xb8;
	[tilespmem:$0x15000] =	vst v63  }
0x25a: {  	v21 =	vld [tilespmem:s16+$0xFFFFFF00];
	_ =	sdelay $0x4  }
0x25b: {  	v22 =	vshll.u32 v21, $0x1  }
0x25c: {  	v21 =	vand.u32 $0x7, v21;
	v22 =	vand.u32 $0xFFFFFFF0, v22  }
0x25d: {  	v21 =	vor.u32 v21, v22  }
0x25e: {  	v22 =	vperm.xlane v21, v15;
	_ =	sdelay $0x1  }
0x25f: {  	v21 =	vperm.xlane v21, v20;
	v22 =	vadd.s32 v18, v22;
	_ =	sdelay $0x1  }
0x260: {  	v21 =	vadd.s32 v18, v21;
	_ =	sdelay $0x1  }
0x261: {  	s29 =	simm.s32 $0xC000  }
0x262: {  	[tilespmem:s29], [sflag:$0x1] =	stream.indirect_vreg.gather [hbm4b:s1+s4], $0x80, v22, vm0, $0xb8;
	[tilespmem:$0x15000] =	vst v63  }
0x263: {  	s22 =	simm.s32 $0xC800  }
0x264: {  	[tilespmem:s22], [sflag:$0x1] =	stream.indirect_vreg.gather [hbm4b:s1+s4], $0x80, v21, vm0, $0xb8;
	[tilespmem:$0x15000] =	vst v63  }
0x265: {  	_ =	swait.ge [sflag:s23], $0x4000  }
0x266: {  	[sflag:s23] =	ssyncset.done $0x0  }
0x267: {  	[sflag:s23] =	ssyncadd.s32 $0xFFFFC000  }
0x268: {  	v21 =	vld [tilespmem:s17+$0x0];
	_ =	sdelay $0x4  }
0x269: {  	v22 =	vshll.u32 v21, $0x1  }
0x26a: {  	v21 =	vand.u32 $0x7, v21;
	v22 =	vand.u32 $0xFFFFFFF0, v22  }
0x26b: {  	v21 =	vor.u32 v21, v22  }
0x26c: {  	v22 =	vperm.xlane v21, v15;
	_ =	sdelay $0x1  }
0x26d: {  	v21 =	vperm.xlane v21, v20;
	v22 =	vadd.s32 v18, v22;
	_ =	sdelay $0x1  }
0x26e: {  	v21 =	vadd.s32 v18, v21;
	_ =	sdelay $0x1  }
0x26f: {  	s24 =	simm.s32 $0x5000  }
0x270: {  	[hbm4b:s3+s4] =	stream.indirect_vreg.scatter [tilespmem:s24], [sflag:$0x2], $0x80, v22, vm0, $0xb8;
	[tilespmem:$0x15000] =	vst v63  }
0x271: {  	_ = 	snop  }
0x272: {  	[hbm4b:s3+s4] =	stream.indirect_vreg.scatter [tilespmem:s7], [sflag:$0x2], $0x80, v21, vm0, $0xb8;
	[tilespmem:$0x15000] =	vst v63  }
0x273: {  	v21 =	vld [tilespmem:s17+$0x10];
	_ =	sdelay $0x4  }
0x274: {  	v22 =	vshll.u32 v21, $0x1  }
0x275: {  	v21 =	vand.u32 $0x7, v21;
	v22 =	vand.u32 $0xFFFFFFF0, v22  }
0x276: {  	v21 =	vor.u32 v21, v22  }
0x277: {  	v22 =	vperm.xlane v21, v15;
	_ =	sdelay $0x1  }
0x278: {  	v21 =	vperm.xlane v21, v20;
	v22 =	vadd.s32 v18, v22;
	_ =	sdelay $0x1  }
0x279: {  	v21 =	vadd.s32 v18, v21;
	_ =	sdelay $0x2  }
0x27a: {  	[hbm4b:s3+s4] =	stream.indirect_vreg.scatter [tilespmem:s0], [sflag:$0x2], $0x80, v22, vm0, $0xb8;
	[tilespmem:$0x15000] =	vst v63  }
0x27b: {  	_ = 	snop  }
0x27c: {  	[hbm4b:s3+s4] =	stream.indirect_vreg.scatter [tilespmem:s2], [sflag:$0x2], $0x80, v21, vm0, $0xb8;
	[tilespmem:$0x15000] =	vst v63  }
0x27d: {  	v21 =	vld [tilespmem:s17+$0x20];
	_ =	sdelay $0x4  }
0x27e: {  	v22 =	vshll.u32 v21, $0x1  }
0x27f: {  	v21 =	vand.u32 $0x7, v21;
	v22 =	vand.u32 $0xFFFFFFF0, v22  }
0x280: {  	v21 =	vor.u32 v21, v22  }
0x281: {  	v22 =	vperm.xlane v21, v15;
	_ =	sdelay $0x1  }
0x282: {  	v21 =	vperm.xlane v21, v20;
	v22 =	vadd.s32 v18, v22;
	_ =	sdelay $0x1  }
0x283: {  	v21 =	vadd.s32 v18, v21;
	_ =	sdelay $0x2  }
0x284: {  	[hbm4b:s3+s4] =	stream.indirect_vreg.scatter [tilespmem:s5], [sflag:$0x2], $0x80, v22, vm0, $0xb8;
	[tilespmem:$0x15000] =	vst v63  }
0x285: {  	_ = 	snop  }
0x286: {  	[hbm4b:s3+s4] =	stream.indirect_vreg.scatter [tilespmem:s30], [sflag:$0x2], $0x80, v21, vm0, $0xb8;
	[tilespmem:$0x15000] =	vst v63  }
0x287: {  	v21 =	vld [tilespmem:s17+$0x30];
	_ =	sdelay $0x4  }
0x288: {  	v22 =	vshll.u32 v21, $0x1  }
0x289: {  	v21 =	vand.u32 $0x7, v21;
	v22 =	vand.u32 $0xFFFFFFF0, v22  }
0x28a: {  	v21 =	vor.u32 v21, v22  }
0x28b: {  	v22 =	vperm.xlane v21, v15;
	_ =	sdelay $0x1  }
0x28c: {  	v21 =	vperm.xlane v21, v20;
	v22 =	vadd.s32 v18, v22;
	_ =	sdelay $0x1  }
0x28d: {  	v21 =	vadd.s32 v18, v21;
	_ =	sdelay $0x2  }
0x28e: {  	[hbm4b:s3+s4] =	stream.indirect_vreg.scatter [tilespmem:s9], [sflag:$0x2], $0x80, v22, vm0, $0xb8;
	[tilespmem:$0x15000] =	vst v63  }
0x28f: {  	_ = 	snop  }
0x290: {  	[hbm4b:s3+s4] =	stream.indirect_vreg.scatter [tilespmem:s8], [sflag:$0x2], $0x80, v21, vm0, $0xb8;
	[tilespmem:$0x15000] =	vst v63  }
0x291: {  	_ =	swait.ge [sflag:s13], $0x4000  }
0x292: {  	[sflag:s13] =	ssyncset.done $0x0  }
0x293: {  	[sflag:s13] =	ssyncadd.s32 $0xFFFFC000  }
0x294: {  	v21 =	vld [tilespmem:s15+$0xFFFFFFC0];
	_ =	sdelay $0x4  }
0x295: {  	s30 =	sadd.s32 $0xFFFFFFF2, s14;
	v21 =	vadd.s32 v17, v21  }
0x296: {  	[tilespmem:s16+$0xFFFFFF50] =	vst v21;
	v21 =	vadd.s32 s30, v0  }
0x297: {  	[tilespmem:s17+$0x100] =	vst v21  }
0x298: {  	v21 =	vld [tilespmem:s15+$0xFFFFFFD0];
	_ =	sdelay $0x4  }
0x299: {  	s0 =	sadd.s32 $0xFFFFFFF4, s14;
	v21 =	vadd.s32 v17, v21  }
0x29a: {  	[tilespmem:s16+$0xFFFFFF60] =	vst v21;
	v21 =	vadd.s32 s0, v0  }
0x29b: {  	[tilespmem:s17+$0x110] =	vst v21  }
0x29c: {  	v21 =	vld [tilespmem:s15+$0xFFFFFFE0];
	_ =	sdelay $0x4  }
0x29d: {  	s2 =	sadd.s32 $0xFFFFFFF6, s14;
	v21 =	vadd.s32 v17, v21  }
0x29e: {  	[tilespmem:s16+$0xFFFFFF70] =	vst v21;
	v21 =	vadd.s32 s2, v0  }
0x29f: {  	[tilespmem:s17+$0x120] =	vst v21  }
0x2a0: {  	v21 =	vld [tilespmem:s15+$0xFFFFFFF0];
	_ =	sdelay $0x4  }
0x2a1: {  	s5 =	sadd.s32 $0xFFFFFFF8, s14;
	v21 =	vadd.s32 v17, v21  }
0x2a2: {  	[tilespmem:s16+$0xFFFFFF80] =	vst v21;
	v21 =	vadd.s32 s5, v0  }
0x2a3: {  	[tilespmem:s17+$0x130] =	vst v21  }
0x2a4: {  	v21 =	vld [tilespmem:s16+$0xFFFFFF50];
	_ =	sdelay $0x4  }
0x2a5: {  	v22 =	vshll.u32 v21, $0x1  }
0x2a6: {  	v21 =	vand.u32 $0x7, v21;
	v22 =	vand.u32 $0xFFFFFFF0, v22  }
0x2a7: {  	v21 =	vor.u32 v21, v22  }
0x2a8: {  	v22 =	vperm.xlane v21, v15;
	_ =	sdelay $0x1  }
0x2a9: {  	v21 =	vperm.xlane v21, v20;
	v22 =	vadd.s32 v18, v22;
	_ =	sdelay $0x1  }
0x2aa: {  	v21 =	vadd.s32 v18, v21;
	_ =	sdelay $0x2  }
0x2ab: {  	[tilespmem:s25], [sflag:$0x1] =	stream.indirect_vreg.gather [hbm4b:s1+s4], $0x80, v22, vm0, $0xb8;
	[tilespmem:$0x15000] =	vst v63  }
0x2ac: {  	s7 =	simm.s32 $0xD800  }
0x2ad: {  	[tilespmem:s7], [sflag:$0x1] =	stream.indirect_vreg.gather [hbm4b:s1+s4], $0x80, v21, vm0, $0xb8;
	[tilespmem:$0x15000] =	vst v63  }
0x2ae: {  	v21 =	vld [tilespmem:s16+$0xFFFFFF60];
	_ =	sdelay $0x4  }
0x2af: {  	v22 =	vshll.u32 v21, $0x1  }
0x2b0: {  	v21 =	vand.u32 $0x7, v21;
	v22 =	vand.u32 $0xFFFFFFF0, v22  }
0x2b1: {  	v21 =	vor.u32 v21, v22  }
0x2b2: {  	v22 =	vperm.xlane v21, v15;
	_ =	sdelay $0x1  }
0x2b3: {  	v21 =	vperm.xlane v21, v20;
	v22 =	vadd.s32 v18, v22;
	_ =	sdelay $0x1  }
0x2b4: {  	v21 =	vadd.s32 v18, v21;
	_ =	sdelay $0x2  }
0x2b5: {  	[tilespmem:s26], [sflag:$0x1] =	stream.indirect_vreg.gather [hbm4b:s1+s4], $0x80, v22, vm0, $0xb8;
	[tilespmem:$0x15000] =	vst v63  }
0x2b6: {  	_ = 	snop  }
0x2b7: {  	[tilespmem:s31], [sflag:$0x1] =	stream.indirect_vreg.gather [hbm4b:s1+s4], $0x80, v21, vm0, $0xb8;
	[tilespmem:$0x15000] =	vst v63  }
0x2b8: {  	v21 =	vld [tilespmem:s16+$0xFFFFFF70];
	_ =	sdelay $0x4  }
0x2b9: {  	v22 =	vshll.u32 v21, $0x1  }
0x2ba: {  	v21 =	vand.u32 $0x7, v21;
	v22 =	vand.u32 $0xFFFFFFF0, v22  }
0x2bb: {  	v21 =	vor.u32 v21, v22  }
0x2bc: {  	v22 =	vperm.xlane v21, v15;
	_ =	sdelay $0x1  }
0x2bd: {  	v21 =	vperm.xlane v21, v20;
	v22 =	vadd.s32 v18, v22;
	_ =	sdelay $0x1  }
0x2be: {  	v21 =	vadd.s32 v18, v21;
	_ =	sdelay $0x1  }
0x2bf: {  	s8 =	simm.s32 $0xF000  }
0x2c0: {  	[tilespmem:s8], [sflag:$0x1] =	stream.indirect_vreg.gather [hbm4b:s1+s4], $0x80, v22, vm0, $0xb8;
	[tilespmem:$0x15000] =	vst v63  }
0x2c1: {  	s19 =	simm.s32 $0xF800  }
0x2c2: {  	[tilespmem:s19], [sflag:$0x1] =	stream.indirect_vreg.gather [hbm4b:s1+s4], $0x80, v21, vm0, $0xb8;
	[tilespmem:$0x15000] =	vst v63  }
0x2c3: {  	v21 =	vld [tilespmem:s16+$0xFFFFFF80];
	_ =	sdelay $0x4  }
0x2c4: {  	v22 =	vshll.u32 v21, $0x1  }
0x2c5: {  	v21 =	vand.u32 $0x7, v21;
	v22 =	vand.u32 $0xFFFFFFF0, v22  }
0x2c6: {  	v21 =	vor.u32 v21, v22  }
0x2c7: {  	v22 =	vperm.xlane v21, v15;
	_ =	sdelay $0x1  }
0x2c8: {  	v21 =	vperm.xlane v21, v20;
	v22 =	vadd.s32 v18, v22;
	_ =	sdelay $0x1  }
0x2c9: {  	v21 =	vadd.s32 v18, v21;
	_ =	sdelay $0x1  }
0x2ca: {  	s25 =	simm.s32 $0x10000  }
0x2cb: {  	[tilespmem:s25], [sflag:$0x1] =	stream.indirect_vreg.gather [hbm4b:s1+s4], $0x80, v22, vm0, $0xb8;
	[tilespmem:$0x15000] =	vst v63  }
0x2cc: {  	s26 =	simm.s32 $0x10800  }
0x2cd: {  	[tilespmem:s26], [sflag:$0x1] =	stream.indirect_vreg.gather [hbm4b:s1+s4], $0x80, v21, vm0, $0xb8;
	[tilespmem:$0x15000] =	vst v63  }
0x2ce: {  	_ =	swait.ge [sflag:s23], $0x4000  }
0x2cf: {  	[sflag:s23] =	ssyncset.done $0x0  }
0x2d0: {  	[sflag:s23] =	ssyncadd.s32 $0xFFFFC000  }
0x2d1: {  	v21 =	vld [tilespmem:s17+$0x80];
	_ =	sdelay $0x4  }
0x2d2: {  	v22 =	vshll.u32 v21, $0x1  }
0x2d3: {  	v21 =	vand.u32 $0x7, v21;
	v22 =	vand.u32 $0xFFFFFFF0, v22  }
0x2d4: {  	v21 =	vor.u32 v21, v22  }
0x2d5: {  	v22 =	vperm.xlane v21, v15;
	_ =	sdelay $0x1  }
0x2d6: {  	v21 =	vperm.xlane v21, v20;
	v22 =	vadd.s32 v18, v22;
	_ =	sdelay $0x1  }
0x2d7: {  	v21 =	vadd.s32 v18, v21;
	_ =	sdelay $0x2  }
0x2d8: {  	[hbm4b:s3+s4] =	stream.indirect_vreg.scatter [tilespmem:s20], [sflag:$0x2], $0x80, v22, vm0, $0xb8;
	[tilespmem:$0x15000] =	vst v63  }
0x2d9: {  	_ = 	snop  }
0x2da: {  	[hbm4b:s3+s4] =	stream.indirect_vreg.scatter [tilespmem:s10], [sflag:$0x2], $0x80, v21, vm0, $0xb8;
	[tilespmem:$0x15000] =	vst v63  }
0x2db: {  	v21 =	vld [tilespmem:s17+$0x90];
	_ =	sdelay $0x4  }
0x2dc: {  	v22 =	vshll.u32 v21, $0x1  }
0x2dd: {  	v21 =	vand.u32 $0x7, v21;
	v22 =	vand.u32 $0xFFFFFFF0, v22  }
0x2de: {  	v21 =	vor.u32 v21, v22  }
0x2df: {  	v22 =	vperm.xlane v21, v15;
	_ =	sdelay $0x1  }
0x2e0: {  	v21 =	vperm.xlane v21, v20;
	v22 =	vadd.s32 v18, v22;
	_ =	sdelay $0x1  }
0x2e1: {  	v21 =	vadd.s32 v18, v21;
	_ =	sdelay $0x2  }
0x2e2: {  	[hbm4b:s3+s4] =	stream.indirect_vreg.scatter [tilespmem:s11], [sflag:$0x2], $0x80, v22, vm0, $0xb8;
	[tilespmem:$0x15000] =	vst v63  }
0x2e3: {  	_ = 	snop  }
0x2e4: {  	[hbm4b:s3+s4] =	stream.indirect_vreg.scatter [tilespmem:s12], [sflag:$0x2], $0x80, v21, vm0, $0xb8;
	[tilespmem:$0x15000] =	vst v63  }
0x2e5: {  	v21 =	vld [tilespmem:s17+$0xA0];
	_ =	sdelay $0x4  }
0x2e6: {  	v22 =	vshll.u32 v21, $0x1  }
0x2e7: {  	v21 =	vand.u32 $0x7, v21;
	v22 =	vand.u32 $0xFFFFFFF0, v22  }
0x2e8: {  	v21 =	vor.u32 v21, v22  }
0x2e9: {  	v22 =	vperm.xlane v21, v15;
	_ =	sdelay $0x1  }
0x2ea: {  	v21 =	vperm.xlane v21, v20;
	v22 =	vadd.s32 v18, v22;
	_ =	sdelay $0x1  }
0x2eb: {  	v21 =	vadd.s32 v18, v21;
	_ =	sdelay $0x2  }
0x2ec: {  	[hbm4b:s3+s4] =	stream.indirect_vreg.scatter [tilespmem:s28], [sflag:$0x2], $0x80, v22, vm0, $0xb8;
	[tilespmem:$0x15000] =	vst v63  }
0x2ed: {  	_ = 	snop  }
0x2ee: {  	[hbm4b:s3+s4] =	stream.indirect_vreg.scatter [tilespmem:s21], [sflag:$0x2], $0x80, v21, vm0, $0xb8;
	[tilespmem:$0x15000] =	vst v63  }
0x2ef: {  	v21 =	vld [tilespmem:s17+$0xB0];
	_ =	sdelay $0x4  }
0x2f0: {  	v22 =	vshll.u32 v21, $0x1  }
0x2f1: {  	v21 =	vand.u32 $0x7, v21;
	v22 =	vand.u32 $0xFFFFFFF0, v22  }
0x2f2: {  	v21 =	vor.u32 v21, v22  }
0x2f3: {  	v22 =	vperm.xlane v21, v15;
	_ =	sdelay $0x1  }
0x2f4: {  	v21 =	vperm.xlane v21, v20;
	v22 =	vadd.s32 v18, v22;
	_ =	sdelay $0x1  }
0x2f5: {  	v21 =	vadd.s32 v18, v21;
	_ =	sdelay $0x2  }
0x2f6: {  	[hbm4b:s3+s4] =	stream.indirect_vreg.scatter [tilespmem:s29], [sflag:$0x2], $0x80, v22, vm0, $0xb8;
	[tilespmem:$0x15000] =	vst v63  }
0x2f7: {  	_ = 	snop  }
0x2f8: {  	[hbm4b:s3+s4] =	stream.indirect_vreg.scatter [tilespmem:s22], [sflag:$0x2], $0x80, v21, vm0, $0xb8;
	[tilespmem:$0x15000] =	vst v63  }
0x2f9: {  	_ =	swait.ge [sflag:s13], $0x4000  }
0x2fa: {  	[sflag:s13] =	ssyncset.done $0x0  }
0x2fb: {  	[sflag:s13] =	ssyncadd.s32 $0xFFFFC000  }
0x2fc: {  	v21 =	vld [tilespmem:s15+$0x0];
	_ =	sdelay $0x4  }
0x2fd: {  	s29 =	sadd.s32 $0xFFFFFFFA, s14;
	v21 =	vadd.s32 v17, v21  }
0x2fe: {  	[tilespmem:s16+$0xFFFFFFD0] =	vst v21;
	v21 =	vadd.s32 s29, v0  }
0x2ff: {  	s30 =	sor.u32 $0x50, s18;
	[tilespmem:s17+$0x180] =	vst v21  }
0x300: {  	v21 =	vld [tilespmem:s30+$0x0];
	_ =	sdelay $0x4  }
0x301: {  	s0 =	sadd.s32 $0xFFFFFFFC, s14;
	v21 =	vadd.s32 v17, v21  }
0x302: {  	[tilespmem:s16+$0xFFFFFFE0] =	vst v21;
	v21 =	vadd.s32 s0, v0  }
0x303: {  	s2 =	sor.u32 $0x60, s18;
	[tilespmem:s17+$0x190] =	vst v21  }
0x304: {  	v21 =	vld [tilespmem:s2+$0x0];
	_ =	sdelay $0x4  }
0x305: {  	s5 =	sadd.s32 $0xFFFFFFFE, s14;
	v21 =	vadd.s32 v17, v21  }
0x306: {  	[tilespmem:s16+$0xFFFFFFF0] =	vst v21;
	v21 =	vadd.s32 s5, v0  }
0x307: {  	s10 =	sor.u32 $0x70, s18;
	[tilespmem:s17+$0x1A0] =	vst v21  }
0x308: {  	v21 =	vld [tilespmem:s10+$0x0];
	_ =	sdelay $0x4  }
0x309: {  	v21 =	vadd.s32 v17, v21  }
0x30a: {  	[tilespmem:s16+$0x0] =	vst v21;
	v21 =	vadd.s32 s14, v0  }
0x30b: {  	[tilespmem:s17+$0x1B0] =	vst v21  }
0x30c: {  	v21 =	vld [tilespmem:s16+$0xFFFFFFD0];
	_ =	sdelay $0x4  }
0x30d: {  	v22 =	vshll.u32 v21, $0x1  }
0x30e: {  	v21 =	vand.u32 $0x7, v21;
	v22 =	vand.u32 $0xFFFFFFF0, v22  }
0x30f: {  	v21 =	vor.u32 v21, v22  }
0x310: {  	v22 =	vperm.xlane v21, v15;
	_ =	sdelay $0x1  }
0x311: {  	v21 =	vperm.xlane v21, v20;
	v22 =	vadd.s32 v18, v22;
	_ =	sdelay $0x1  }
0x312: {  	v21 =	vadd.s32 v18, v21;
	_ =	sdelay $0x1  }
0x313: {  	s11 =	simm.s32 $0x11000  }
0x314: {  	[tilespmem:s11], [sflag:$0x1] =	stream.indirect_vreg.gather [hbm4b:s1+s4], $0x80, v22, vm0, $0xb8;
	[tilespmem:$0x15000] =	vst v63  }
0x315: {  	s19 =	simm.s32 $0x11800  }
0x316: {  	[tilespmem:s19], [sflag:$0x1] =	stream.indirect_vreg.gather [hbm4b:s1+s4], $0x80, v21, vm0, $0xb8;
	[tilespmem:$0x15000] =	vst v63  }
0x317: {  	v21 =	vld [tilespmem:s16+$0xFFFFFFE0];
	_ =	sdelay $0x4  }
0x318: {  	v22 =	vshll.u32 v21, $0x1  }
0x319: {  	v21 =	vand.u32 $0x7, v21;
	v22 =	vand.u32 $0xFFFFFFF0, v22  }
0x31a: {  	v21 =	vor.u32 v21, v22  }
0x31b: {  	v22 =	vperm.xlane v21, v15;
	_ =	sdelay $0x1  }
0x31c: {  	v21 =	vperm.xlane v21, v20;
	v22 =	vadd.s32 v18, v22;
	_ =	sdelay $0x1  }
0x31d: {  	v21 =	vadd.s32 v18, v21;
	_ =	sdelay $0x1  }
0x31e: {  	s20 =	simm.s32 $0x12000  }
0x31f: {  	[tilespmem:s20], [sflag:$0x1] =	stream.indirect_vreg.gather [hbm4b:s1+s4], $0x80, v22, vm0, $0xb8;
	[tilespmem:$0x15000] =	vst v63  }
0x320: {  	s22 =	simm.s32 $0x12800  }
0x321: {  	[tilespmem:s22], [sflag:$0x1] =	stream.indirect_vreg.gather [hbm4b:s1+s4], $0x80, v21, vm0, $0xb8;
	[tilespmem:$0x15000] =	vst v63  }
0x322: {  	v21 =	vld [tilespmem:s16+$0xFFFFFFF0];
	_ =	sdelay $0x4  }
0x323: {  	v22 =	vshll.u32 v21, $0x1  }
0x324: {  	v21 =	vand.u32 $0x7, v21;
	v22 =	vand.u32 $0xFFFFFFF0, v22  }
0x325: {  	v21 =	vor.u32 v21, v22  }
0x326: {  	v22 =	vperm.xlane v21, v15;
	_ =	sdelay $0x1  }
0x327: {  	v21 =	vperm.xlane v21, v20;
	v22 =	vadd.s32 v18, v22;
	_ =	sdelay $0x1  }
0x328: {  	v21 =	vadd.s32 v18, v21;
	_ =	sdelay $0x1  }
0x329: {  	s26 =	simm.s32 $0x13000  }
0x32a: {  	[tilespmem:s26], [sflag:$0x1] =	stream.indirect_vreg.gather [hbm4b:s1+s4], $0x80, v22, vm0, $0xb8;
	[tilespmem:$0x15000] =	vst v63  }
0x32b: {  	s28 =	simm.s32 $0x13800  }
0x32c: {  	[tilespmem:s28], [sflag:$0x1] =	stream.indirect_vreg.gather [hbm4b:s1+s4], $0x80, v21, vm0, $0xb8;
	[tilespmem:$0x15000] =	vst v63  }
0x32d: {  	v21 =	vld [tilespmem:s16+$0x0];
	_ =	sdelay $0x4  }
0x32e: {  	v22 =	vshll.u32 v21, $0x1  }
0x32f: {  	v21 =	vand.u32 $0x7, v21;
	v22 =	vand.u32 $0xFFFFFFF0, v22  }
0x330: {  	v21 =	vor.u32 v21, v22  }
0x331: {  	p0 =	sne.s32 s14, $0x1FE;
	v22 =	vperm.xlane v21, v15  }
0x332: {  	s6 =	simm.s32 $0x5000;
	s24 =	simm.s32 $0xF800;
	s9 =	simm.s32 $0xF000  }
0x333: {  	s7 =	simm.s32 $0x10800;
	s31 =	simm.s32 $0x12000;
	s8 =	simm.s32 $0x10000;
	v21 =	vperm.xlane v21, v20;
	v22 =	vadd.s32 v18, v22  }
0x334: {  	s25 =	simm.s32 $0x12800;
	s18 =	sadd.s32 $0x100, s18;
	s12 =	simm.s32 $0x11000  }
0x335: {  	s21 =	simm.s32 $0x11800;
	s15 =	sadd.s32 $0x100, s15;
	s29 =	simm.s32 $0x14000;
	v21 =	vadd.s32 v18, v21  }
.Ltmp0:
0x336: {  	s30 =	simm.s32 $0x14800;
	s0 =	simm.s32 $0x14000;
	(pc) =	sbr.rel @p0 .LBB2_2-.Ltmp0, $4  }
0x337: {  	s2 =	simm.s32 $0x13000;
	s5 =	simm.s32 $0x14800;
	s14 =	sadd.s32 $0x20, s14  }
0x338: {  	[tilespmem:s29], [sflag:$0x1] =	stream.indirect_vreg.gather [hbm4b:s1+s4], $0x80, v22, vm0, $0xb8;
	[tilespmem:$0x15000] =	vst v63  }
0x339: {  	s17 =	sadd.s32 $0x200, s17;
	s26 =	simm.s32 $0x13800;
	s16 =	sadd.s32 $0x200, s16  }
0x33a: {  	[tilespmem:s30], [sflag:$0x1] =	stream.indirect_vreg.gather [hbm4b:s1+s4], $0x80, v21, vm0, $0xb8;
	[tilespmem:$0x15000] =	vst v63  }
0x33b: {  	_ =	swait.ge [sflag:s23], $0x4000  }
0x33c: {  	[sflag:s23] =	ssyncset.done $0x0  }
0x33d: {  	[sflag:s23] =	ssyncadd.s32 $0xFFFFC000  }
0x33e: {  	v21 =	vld [tilespmem:$0x4F00];
	_ =	sdelay $0x4  }
0x33f: {  	v22 =	vshll.u32 v21, $0x1  }
0x340: {  	v21 =	vand.u32 $0x7, v21;
	v22 =	vand.u32 $0xFFFFFFF0, v22  }
0x341: {  	v21 =	vor.u32 v21, v22  }
0x342: {  	v22 =	vperm.xlane v21, v15;
	_ =	sdelay $0x1  }
0x343: {  	v21 =	vperm.xlane v21, v19;
	v22 =	vadd.s32 v18, v22;
	_ =	sdelay $0x1  }
0x344: {  	v21 =	vadd.s32 v18, v21;
	_ =	sdelay $0x1  }
0x345: {  	s6 =	simm.s32 $0xD000  }
0x346: {  	[hbm4b:s3+s4] =	stream.indirect_vreg.scatter [tilespmem:s6], [sflag:$0x2], $0x80, v22, vm0, $0xb8;
	[tilespmem:$0x15000] =	vst v63  }
0x347: {  	s18 =	simm.s32 $0xD800  }
0x348: {  	[hbm4b:s3+s4] =	stream.indirect_vreg.scatter [tilespmem:s18], [sflag:$0x2], $0x80, v21, vm0, $0xb8;
	[tilespmem:$0x15000] =	vst v63  }
0x349: {  	v21 =	vld [tilespmem:$0x4F10];
	_ =	sdelay $0x4  }
0x34a: {  	v22 =	vshll.u32 v21, $0x1  }
0x34b: {  	v21 =	vand.u32 $0x7, v21;
	v22 =	vand.u32 $0xFFFFFFF0, v22  }
0x34c: {  	v21 =	vor.u32 v21, v22  }
0x34d: {  	v22 =	vperm.xlane v21, v15;
	_ =	sdelay $0x1  }
0x34e: {  	v21 =	vperm.xlane v21, v19;
	v22 =	vadd.s32 v18, v22;
	_ =	sdelay $0x1  }
0x34f: {  	v21 =	vadd.s32 v18, v21;
	_ =	sdelay $0x1  }
0x350: {  	s19 =	simm.s32 $0xE000  }
0x351: {  	[hbm4b:s3+s4] =	stream.indirect_vreg.scatter [tilespmem:s19], [sflag:$0x2], $0x80, v22, vm0, $0xb8;
	[tilespmem:$0x15000] =	vst v63  }
0x352: {  	s20 =	simm.s32 $0xE800  }
0x353: {  	[hbm4b:s3+s4] =	stream.indirect_vreg.scatter [tilespmem:s20], [sflag:$0x2], $0x80, v21, vm0, $0xb8;
	[tilespmem:$0x15000] =	vst v63  }
0x354: {  	v21 =	vld [tilespmem:$0x4F20];
	_ =	sdelay $0x4  }
0x355: {  	v22 =	vshll.u32 v21, $0x1  }
0x356: {  	v21 =	vand.u32 $0x7, v21;
	v22 =	vand.u32 $0xFFFFFFF0, v22  }
0x357: {  	v21 =	vor.u32 v21, v22  }
0x358: {  	v22 =	vperm.xlane v21, v15;
	_ =	sdelay $0x1  }
0x359: {  	v21 =	vperm.xlane v21, v19;
	v22 =	vadd.s32 v18, v22;
	_ =	sdelay $0x1  }
0x35a: {  	v21 =	vadd.s32 v18, v21;
	_ =	sdelay $0x2  }
0x35b: {  	[hbm4b:s3+s4] =	stream.indirect_vreg.scatter [tilespmem:s9], [sflag:$0x2], $0x80, v22, vm0, $0xb8;
	[tilespmem:$0x15000] =	vst v63  }
0x35c: {  	_ = 	snop  }
0x35d: {  	[hbm4b:s3+s4] =	stream.indirect_vreg.scatter [tilespmem:s24], [sflag:$0x2], $0x80, v21, vm0, $0xb8;
	[tilespmem:$0x15000] =	vst v63  }
0x35e: {  	v21 =	vld [tilespmem:$0x4F30];
	_ =	sdelay $0x4  }
0x35f: {  	v22 =	vshll.u32 v21, $0x1  }
0x360: {  	v21 =	vand.u32 $0x7, v21;
	v22 =	vand.u32 $0xFFFFFFF0, v22  }
0x361: {  	v21 =	vor.u32 v21, v22  }
0x362: {  	v22 =	vperm.xlane v21, v15;
	_ =	sdelay $0x1  }
0x363: {  	v21 =	vperm.xlane v21, v19;
	v22 =	vadd.s32 v18, v22;
	_ =	sdelay $0x1  }
0x364: {  	v21 =	vadd.s32 v18, v21;
	_ =	sdelay $0x2  }
0x365: {  	[hbm4b:s3+s4] =	stream.indirect_vreg.scatter [tilespmem:s8], [sflag:$0x2], $0x80, v22, vm0, $0xb8;
	[tilespmem:$0x15000] =	vst v63  }
0x366: {  	_ = 	snop  }
0x367: {  	[hbm4b:s3+s4] =	stream.indirect_vreg.scatter [tilespmem:s7], [sflag:$0x2], $0x80, v21, vm0, $0xb8;
	[tilespmem:$0x15000] =	vst v63  }
0x368: {  	_ =	swait.ge [sflag:s23], $0x4000  }
0x369: {  	[sflag:s23] =	ssyncset.done $0x0  }
0x36a: {  	[sflag:s23] =	ssyncadd.s32 $0xFFFFC000  }
0x36b: {  	v21 =	vld [tilespmem:$0x4F80];
	_ =	sdelay $0x4  }
0x36c: {  	v22 =	vshll.u32 v21, $0x1  }
0x36d: {  	v21 =	vand.u32 $0x7, v21;
	v22 =	vand.u32 $0xFFFFFFF0, v22  }
0x36e: {  	v21 =	vor.u32 v21, v22  }
0x36f: {  	v22 =	vperm.xlane v21, v15;
	_ =	sdelay $0x1  }
0x370: {  	v21 =	vperm.xlane v21, v19;
	v22 =	vadd.s32 v18, v22;
	_ =	sdelay $0x1  }
0x371: {  	v21 =	vadd.s32 v18, v21;
	_ =	sdelay $0x2  }
0x372: {  	[hbm4b:s3+s4] =	stream.indirect_vreg.scatter [tilespmem:s12], [sflag:$0x2], $0x80, v22, vm0, $0xb8;
	[tilespmem:$0x15000] =	vst v63  }
0x373: {  	_ = 	snop  }
0x374: {  	[hbm4b:s3+s4] =	stream.indirect_vreg.scatter [tilespmem:s21], [sflag:$0x2], $0x80, v21, vm0, $0xb8;
	[tilespmem:$0x15000] =	vst v63  }
0x375: {  	v21 =	vld [tilespmem:$0x4F90];
	_ =	sdelay $0x4  }
0x376: {  	v22 =	vshll.u32 v21, $0x1  }
0x377: {  	v21 =	vand.u32 $0x7, v21;
	v22 =	vand.u32 $0xFFFFFFF0, v22  }
0x378: {  	v21 =	vor.u32 v21, v22  }
0x379: {  	v22 =	vperm.xlane v21, v15;
	_ =	sdelay $0x1  }
0x37a: {  	v21 =	vperm.xlane v21, v19;
	v22 =	vadd.s32 v18, v22;
	_ =	sdelay $0x1  }
0x37b: {  	v21 =	vadd.s32 v18, v21;
	_ =	sdelay $0x2  }
0x37c: {  	[hbm4b:s3+s4] =	stream.indirect_vreg.scatter [tilespmem:s31], [sflag:$0x2], $0x80, v22, vm0, $0xb8;
	[tilespmem:$0x15000] =	vst v63  }
0x37d: {  	_ = 	snop  }
0x37e: {  	[hbm4b:s3+s4] =	stream.indirect_vreg.scatter [tilespmem:s25], [sflag:$0x2], $0x80, v21, vm0, $0xb8;
	[tilespmem:$0x15000] =	vst v63  }
0x37f: {  	v21 =	vld [tilespmem:$0x4FA0];
	_ =	sdelay $0x4  }
0x380: {  	v22 =	vshll.u32 v21, $0x1  }
0x381: {  	v21 =	vand.u32 $0x7, v21;
	v22 =	vand.u32 $0xFFFFFFF0, v22  }
0x382: {  	v21 =	vor.u32 v21, v22  }
0x383: {  	v22 =	vperm.xlane v21, v15;
	_ =	sdelay $0x1  }
0x384: {  	v21 =	vperm.xlane v21, v19;
	v22 =	vadd.s32 v18, v22;
	_ =	sdelay $0x1  }
0x385: {  	v21 =	vadd.s32 v18, v21;
	_ =	sdelay $0x2  }
0x386: {  	[hbm4b:s3+s4] =	stream.indirect_vreg.scatter [tilespmem:s2], [sflag:$0x2], $0x80, v22, vm0, $0xb8;
	[tilespmem:$0x15000] =	vst v63  }
0x387: {  	_ = 	snop  }
0x388: {  	[hbm4b:s3+s4] =	stream.indirect_vreg.scatter [tilespmem:s26], [sflag:$0x2], $0x80, v21, vm0, $0xb8;
	[tilespmem:$0x15000] =	vst v63  }
0x389: {  	v21 =	vld [tilespmem:$0x4FB0];
	_ =	sdelay $0x4  }
0x38a: {  	v22 =	vshll.u32 v21, $0x1  }
0x38b: {  	v21 =	vand.u32 $0x7, v21;
	v22 =	vand.u32 $0xFFFFFFF0, v22  }
0x38c: {  	v21 =	vor.u32 v21, v22  }
0x38d: {  	v22 =	vperm.xlane v21, v15;
	_ =	sdelay $0x1  }
0x38e: {  	v21 =	vperm.xlane v21, v19;
	v22 =	vadd.s32 v18, v22;
	_ =	sdelay $0x1  }
0x38f: {  	v21 =	vadd.s32 v18, v21;
	_ =	sdelay $0x2  }
0x390: {  	[hbm4b:s3+s4] =	stream.indirect_vreg.scatter [tilespmem:s0], [sflag:$0x2], $0x80, v22, vm0, $0xb8;
	[tilespmem:$0x15000] =	vst v63  }
0x391: {  	_ = 	snop  }
0x392: {  	[hbm4b:s3+s4] =	stream.indirect_vreg.scatter [tilespmem:s5], [sflag:$0x2], $0x80, v21, vm0, $0xb8;
	[tilespmem:$0x15000] =	vst v63  }
0x393: {  	_ =	swait.ge [sflag:s13], $0x4000  }
0x394: {  	[sflag:s13] =	ssyncset.done $0x0  }
0x395: {  	[sflag:s13] =	ssyncadd.s32 $0xFFFFC000  }
0x396: {  	_ =	swait.ge [sflag:s13], $0x4000  }
0x397: {  	[sflag:s13] =	ssyncset.done $0x0  }
0x398: {  	[sflag:s13] =	ssyncadd.s32 $0xFFFFC000  }
0x399: {  	_ =	swait.ge [sflag:s13], $0x4000  }
0x39a: {  	[sflag:s13] =	ssyncset.done $0x0  }
0x39b: {  	[sflag:s13] =	ssyncadd.s32 $0xFFFFC000  }
0x39c: {  	_ =	swait.ge [sflag:s13], $0x4000  }
0x39d: {  	s22 =	rddreg [dreg:$0x6]  }
0x39e: {  	s14 =	rddreg [dreg:$0x5];
	s6 =	sadd.s32 $0x1, s22  }
0x39f: {  	s15 =	simm.s32 $0x5800;
	s16 =	simm.s32 $0x6000;
	p0 =	sne.s32 s6, s14  }
.Ltmp1:
0x3a0: {  	s17 =	simm.s32 $0x6800;
	s11 =	simm.s32 $0x8800;
	(pc) =	sbr.rel @p0 .LBB2_1-.Ltmp1, $4  }
0x3a1: {  	s10 =	simm.s32 $0x9000;
	s29 =	simm.s32 $0xB000;
	s30 =	simm.s32 $0xB800  }
0x3a2: {  	s28 =	simm.s32 $0xC800;
	s18 =	simm.s32 $0x7000;
	[sflag:s13] =	ssyncset.done $0x0  }
0x3a3: {  	s19 =	simm.s32 $0x7800;
	s20 =	simm.s32 $0x8000;
	[sflag:s13] =	ssyncadd.s32 $0xFFFFC000  }
0x3a4: {  	s22 =	simm.s32 $0xC000;
	[dreg:$0x6] =	wrdreg s6;
	s6 =	simm.s32 $0xA000  }
0x3a5: {  	_ =	sfence.sel $0x180000  }
0x3a6: {  	[bflag:$0x0] =	sbarrier.arrive $0xFFFF  }
0x3a7: {  	_ =	strace $0x90000047  }
0x3a8: {  	s0 =	stileid.u32;
	[bflag:$0x2] =	sbarrier.arrive $0xFFFF  }
0x3a9: {  	p0 =	sne.s32 s0, $0x0;
	s0 =	rddreg [dreg:$0x3]  }
0x3aa: {  	s0 =	sadd.s32 @!p0 $0x100000, s0  }
0x3ab: {  	[sflag:s0] =	ssyncadd.tile.s32 @!p0 $0x1;
	_ =	shalt  }
.Lfunc_end2:
_tile_overlayer_lowered:
.L_overlay_start_2:
0x3ac: {  	(tag) =	ssettag $0x2  }
0x3ad: {  	s0 =	rddreg [dreg:$0x0];
	s2 =	stileid.u32  }
0x3ae: {  	s1 =	rddreg [dreg:$0x1];
	p0 =	sne.s32 s2, $0x0  }
0x3af: {  	s3 =	rddreg [dreg:$0x2];
	[bflag:$0x3] =	sbarrier.arrive $0xFFFF;
	s2 =	simm.s32 @!p0 $0x1C03  }
0x3b0: {  	[timem:s3], [sflag:s2] =	dma.local @!p0 [hbm:s0], s1  }
0x3b1: {  	s0 =	simm.s32 @!p0 $0x3  }
0x3b2: {  	_ =	swait.ge @!p0 [sflag:s0], s1  }
0x3b3: {  	s1 =	ssub.s32 @!p0 $0x0, s1;
	[sflag:s0] =	ssyncset.done @!p0 $0x0  }
0x3b4: {  	[sflag:s0] =	ssyncadd.s32 @!p0 s1  }
0x3b5: {  	[bflag:$0x3] =	sbarrier.arrive $0xFFFF  }
0x3b6: {  	_ =	shalt  }

</sc_bundles>
